<compile_context>
chip_gen: v7x
topology: tpu7x:2x2x1
jax: 0.10.2.dev20260603
libtpu: 0.0.44.dev20260713+nightly
codegen_flags: <defaults>
</compile_context>

<pallas_src>
import functools

import jax
import jax.numpy as jnp
from jax import lax
from jax.experimental import pallas as pl
from jax.experimental.pallas import tpu as pltpu
from jax.experimental.pallas import tpu_sc as plsc

_NPOS = 196
_B = 64
_F = 30
_PLANE = _F * _B
_NW = 32
_NCHT = _NPOS * 4
_WIN = 8 * _PLANE
_ANCH_MAX = _NPOS - 8
_INV_N = 1.0 / 64.0

_mesh = plsc.VectorSubcoreMesh(core_axis_name="c", subcore_axis_name="s")


def _sqrt16(x):
    i = plsc.bitcast(x, jnp.int32)
    r = plsc.bitcast(0x5F3759DF - (i >> 1), jnp.float32)
    hx = 0.5 * x
    r = r * (1.5 - hx * r * r)
    r = r * (1.5 - hx * r * r)
    return x * r


@functools.partial(
    pl.kernel,
    out_type=jax.ShapeDtypeStruct((_NW, 16), jnp.float32),
    mesh=_mesh,
    compiler_params=pltpu.CompilerParams(needs_layout_passes=False),
    scratch_types=[
        pltpu.VMEM((_WIN,), jnp.float32),
        pltpu.VMEM((_WIN,), jnp.float32),
        pltpu.VMEM((16,), jnp.float32),
        pltpu.SemaphoreType.DMA,
        pltpu.SemaphoreType.DMA,
    ],
)
def _yolo_sc(pred_hbm, targ_hbm, out_hbm, pred_v, targ_v, vec_v, sem_p, sem_t):
    cid = lax.axis_index("c")
    sid = lax.axis_index("s")
    wid = sid * 2 + cid
    k0 = (_NCHT * wid + (_NW - 1)) // _NW
    k1 = (_NCHT * (wid + 1) + (_NW - 1)) // _NW
    nch = k1 - k0
    anchor = jnp.minimum(k0 // 4, _ANCH_MAX)
    base = anchor * _PLANE
    cp_p = pltpu.async_copy(pred_hbm.at[pl.ds(base, _WIN)], pred_v, sem_p)
    cp_t = pltpu.async_copy(targ_hbm.at[pl.ds(base, _WIN)], targ_v, sem_t)
    cp_p.wait()
    cp_t.wait()

    def chunk(j, acc):
        k = k0 + j
        lbase = (k // 4 - anchor) * _PLANE + (k % 4) * 16

        def gp(c):
            return pred_v[pl.ds(lbase + c * _B, 16)]

        def gt(c):
            return targ_v[pl.ds(lbase + c * _B, 16)]

        px0, py0, pw0, ph0, pc0 = gp(0), gp(1), gp(2), gp(3), gp(4)
        px1, py1, pw1, ph1, pc1 = gp(5), gp(6), gp(7), gp(8), gp(9)
        tx0, ty0, tw0, th0, tcf = gt(0), gt(1), gt(2), gt(3), gt(4)
        tx1, ty1, tw1, th1, tc9 = gt(5), gt(6), gt(7), gt(8), gt(9)

        coo = tcf > 0.0
        noo = tcf == 0.0
        dn0 = pc0 - tcf
        dn1 = pc1 - tc9
        noo_term = dn0 * dn0 + dn1 * dn1

        inv14 = jnp.float32(1.0 / 14.0)
        bx1 = tx0 * inv14 - 0.5 * tw0
        bx2 = tx0 * inv14 + 0.5 * tw0
        by1 = ty0 * inv14 - 0.5 * th0
        by2 = ty0 * inv14 + 0.5 * th0
        tarea = (bx2 - bx1) * (by2 - by1)

        def iou_of(px, py, pw, ph):
            x1 = px * inv14 - 0.5 * pw
            x2 = px * inv14 + 0.5 * pw
            y1 = py * inv14 - 0.5 * ph
            y2 = py * inv14 + 0.5 * ph
            wx = jnp.maximum(jnp.minimum(x2, bx2) - jnp.maximum(x1, bx1), 0.0)
            wy = jnp.maximum(jnp.minimum(y2, by2) - jnp.maximum(y1, by1), 0.0)
            inter = wx * wy
            area = (x2 - x1) * (y2 - y1)
            return inter / (area + tarea - inter)

        iou0 = iou_of(px0, py0, pw0, ph0)
        iou1 = iou_of(px1, py1, pw1, ph1)
        sel = iou1 > iou0
        max_iou = jnp.maximum(iou0, iou1)

        rx = jnp.where(sel, px1, px0)
        ry = jnp.where(sel, py1, py0)
        rw = jnp.where(sel, pw1, pw0)
        rh = jnp.where(sel, ph1, ph0)
        rc = jnp.where(sel, pc1, pc0)
        nc = jnp.where(sel, pc0, pc1)
        trx = jnp.where(sel, tx1, tx0)
        try_ = jnp.where(sel, ty1, ty0)
        trw = jnp.where(sel, tw1, tw0)
        trh = jnp.where(sel, th1, th0)

        dx = rx - trx
        dy = ry - try_
        loc = (dx * dx + dy * dy
               + (rw + trw - 2.0 * _sqrt16(rw * trw))
               + (rh + trh - 2.0 * _sqrt16(rh * trh)))
        dcon = rc - max_iou

        cls = jnp.zeros((16,), jnp.float32)
        for c in range(10, 30):
            dcl = gp(c) - gt(c)
            cls = cls + dcl * dcl

        obj_term = 5.0 * loc + 2.0 * (dcon * dcon) + nc * nc + cls
        cell = (jnp.where(coo, obj_term, 0.0)
                + 0.5 * jnp.where(noo, noo_term, 0.0))
        return acc + cell

    acc = plsc.parallel_loop(0, nch, carry=jnp.zeros((16,), jnp.float32))(chunk)

    vec_v[...] = acc * _INV_N
    pltpu.sync_copy(vec_v, out_hbm.at[wid])


def kernel(pred_tensor, target_tensor):
    pf = jnp.transpose(pred_tensor, (1, 2, 3, 0)).reshape(-1)
    tf = jnp.transpose(target_tensor, (1, 2, 3, 0)).reshape(-1)
    parts = _yolo_sc(pf, tf)
    return jnp.sum(parts)

# --- scband reference (transcript-rebuilt; emitter-appended) ---
"""Pipeline reference for scband-yolo-loss-78030965834119 (READ-ONLY COPY).

The authoritative reference and input builder live on the scoring server;
editing this copy changes nothing except your own understanding.
"""

import jax, jax.numpy as jnp
import numpy as np

L_COORD = 5.0
L_NOOBJ = 0.5

def setup_inputs(seed: int = 0):
    key = jax.random.key(seed)
    k1, k2 = jax.random.split(key)
    pred_tensor = jax.random.uniform(k1, (64, 14, 14, 30), dtype=jnp.float32)
    target_tensor = jax.random.uniform(k2, (64, 14, 14, 30), dtype=jnp.float32)
    return {"pred_tensor": pred_tensor, "target_tensor": target_tensor}

def _yolo_loss(pred_flat, targ_flat, coo_mask, noo_mask, N):
    # no-object confidence loss (columns 4 and 9 of cells with conf == 0)
    nooobj_loss = jnp.sum(noo_mask * (pred_flat[:, 4] - targ_flat[:, 4]) ** 2) + jnp.sum(noo_mask * (pred_flat[:, 9] - targ_flat[:, 9]) ** 2)
    # object cells
    box_pred = pred_flat[:, :10].reshape(-1, 2, 5)    # [C, 2, 5]
    box_target = targ_flat[:, :10].reshape(-1, 2, 5)  # [C, 2, 5]
    class_pred = pred_flat[:, 10:]
    class_targ = targ_flat[:, 10:]
    # vectorized form of the per-pair loop: compare the 2 predicted boxes of each
    # cell against the first target box of that cell via IoU in xyxy coords
    bt = box_target[:, 0, :]  # [C, 5]
    bp_xy1 = box_pred[..., :2] / 14.0 - 0.5 * box_pred[..., 2:4]
    bp_xy2 = box_pred[..., :2] / 14.0 + 0.5 * box_pred[..., 2:4]
    bt_xy1 = bt[:, :2] / 14.0 - 0.5 * bt[:, 2:4]
    bt_xy2 = bt[:, :2] / 14.0 + 0.5 * bt[:, 2:4]
    lt = jnp.maximum(bp_xy1, bt_xy1[:, None, :])
    rb = jnp.minimum(bp_xy2, bt_xy2[:, None, :])
    wh = jnp.clip(rb - lt, 0.0, None)
    inter = wh[..., 0] * wh[..., 1]
    area1 = (bp_xy2[..., 0] - bp_xy1[..., 0]) * (bp_xy2[..., 1] - bp_xy1[..., 1])
    area2 = ((bt_xy2[:, 0] - bt_xy1[:, 0]) * (bt_xy2[:, 1] - bt_xy1[:, 1]))[:, None]
    iou = inter / (area1 + area2 - inter)  # [C, 2]
    max_index = jnp.argmax(iou, axis=1)    # responsible box per cell
    max_iou = jnp.max(iou, axis=1)
    rows = jnp.arange(box_pred.shape[0])
    box_pred_response = box_pred[rows, max_index]          # [C, 5]
    box_target_response = box_target[rows, max_index]     # [C, 5]
    box_pred_not_response = box_pred[rows, 1 - max_index]  # [C, 5]
    loc_loss = jnp.sum(coo_mask[:, None] * (box_pred_response[:, :2] - box_target_response[:, :2]) ** 2) + jnp.sum(coo_mask[:, None] * (jnp.sqrt(box_pred_response[:, 2:4]) - jnp.sqrt(box_target_response[:, 2:4])) ** 2)
    contain_loss = jnp.sum(coo_mask * (box_pred_response[:, 4] - max_iou) ** 2)
    not_contain_loss = jnp.sum(coo_mask * box_pred_not_response[:, 4] ** 2)  # target conf forced to 0
    class_loss = jnp.sum(coo_mask[:, None] * (class_pred - class_targ) ** 2)
    return (L_COORD * loc_loss + 2.0 * contain_loss + not_contain_loss + L_NOOBJ * nooobj_loss + class_loss) / N

def reference(pred_tensor, target_tensor):
    N = pred_tensor.shape[0]
    conf = target_tensor[..., 4].reshape(-1)
    coo_mask = (conf > 0).astype(pred_tensor.dtype)
    noo_mask = (conf == 0).astype(pred_tensor.dtype)
    pred_flat = pred_tensor.reshape(-1, 30)
    targ_flat = target_tensor.reshape(-1, 30)
    return _yolo_loss(pred_flat, targ_flat, coo_mask, noo_mask, N)

if __name__ == "__main__":
    import jax
    _d = setup_inputs()
    print(jax.jit(kernel)(*tuple(_d.values())))

</pallas_src>

<mosaic_0001>
#map = affine_map<(d0, d1) -> (0)>
#map1 = affine_map<(d0, d1) -> (0, 0)>
module attributes {stable_mosaic.version = 14 : i64} {
  func.func @_yolo_sc(%arg0: i32, %arg1: i32, %arg2: memref<376320xf32, #tpu.memory_space<hbm>>, %arg3: memref<376320xf32, #tpu.memory_space<hbm>>, %arg4: memref<32x16xf32, #tpu.memory_space<hbm>>, %arg5: memref<15360xf32, #tpu.memory_space<vmem>>, %arg6: memref<15360xf32, #tpu.memory_space<vmem>>, %arg7: memref<16xf32, #tpu.memory_space<vmem>>, %arg8: memref<!tpu.dma_semaphore, #tpu.memory_space<semaphore_mem>>, %arg9: memref<!tpu.dma_semaphore, #tpu.memory_space<semaphore_mem>>) attributes {dimension_semantics = [#tpu.dimension_semantics<core_parallel>, #tpu.dimension_semantics<subcore_parallel>], iteration_bounds = array<i64: 2, 16>, scalar_prefetch = 0 : i64, scratch_operands = 5 : i64, tpu.core_type = #tpu.core_type<sc_vector_subcore>, window_params = [{transform_indices = #map}, {transform_indices = #map}, {transform_indices = #map1}]} {
    %mul3A = arith.constant 2 : i32
    %mul3A_0 = arith.muli %arg1, %mul3A : i32
    %add3A = arith.addi %mul3A_0, %arg0 : i32
    %mul3A_1 = arith.constant 784 : i32
    %mul3A_2 = arith.muli %mul3A_1, %add3A : i32
    %add3A_3 = arith.constant 31 : i32
    %add3A_4 = arith.addi %mul3A_2, %add3A_3 : i32
    %jit3A = arith.constant 32 : i32
    %div3A = arith.divsi %add3A_4, %jit3A : i32
    %sign3A = arith.constant 0 : i32
    %sign3A_5 = arith.cmpi sgt, %add3A_4, %sign3A : i32
    %sign3A_6 = arith.extui %sign3A_5 : i1 to i32
    %sign3A_7 = arith.constant 0 : i32
    %sign3A_8 = arith.cmpi slt, %add3A_4, %sign3A_7 : i32
    %sign3A_9 = arith.extui %sign3A_8 : i1 to i32
    %sign3A_10 = arith.subi %sign3A_6, %sign3A_9 : i32
    %sign3A_11 = arith.constant 0 : i32
    %sign3A_12 = arith.cmpi sgt, %jit3A, %sign3A_11 : i32
    %sign3A_13 = arith.extui %sign3A_12 : i1 to i32
    %sign3A_14 = arith.constant 0 : i32
    %sign3A_15 = arith.cmpi slt, %jit3A, %sign3A_14 : i32
    %sign3A_16 = arith.extui %sign3A_15 : i1 to i32
    %sign3A_17 = arith.subi %sign3A_13, %sign3A_16 : i32
    %ne3A = arith.cmpi ne, %sign3A_10, %sign3A_17 : i32
    %rem3A = arith.remsi %add3A_4, %jit3A : i32
    %ne3A_18 = arith.constant 0 : i32
    %ne3A_19 = arith.cmpi ne, %rem3A, %ne3A_18 : i32
    %and3A = arith.andi %ne3A, %ne3A_19 : i1
    %sub3A = arith.constant 1 : i32
    %sub3A_20 = arith.subi %div3A, %sub3A : i32
    %select_n3A = arith.select %and3A, %sub3A_20, %div3A : i32
    %add3A_21 = arith.constant 1 : i32
    %add3A_22 = arith.addi %add3A, %add3A_21 : i32
    %mul3A_23 = arith.constant 784 : i32
    %mul3A_24 = arith.muli %mul3A_23, %add3A_22 : i32
    %add3A_25 = arith.constant 31 : i32
    %add3A_26 = arith.addi %mul3A_24, %add3A_25 : i32
    %jit3A_27 = arith.constant 32 : i32
    %div3A_28 = arith.divsi %add3A_26, %jit3A_27 : i32
    %sign3A_29 = arith.constant 0 : i32
    %sign3A_30 = arith.cmpi sgt, %add3A_26, %sign3A_29 : i32
    %sign3A_31 = arith.extui %sign3A_30 : i1 to i32
    %sign3A_32 = arith.constant 0 : i32
    %sign3A_33 = arith.cmpi slt, %add3A_26, %sign3A_32 : i32
    %sign3A_34 = arith.extui %sign3A_33 : i1 to i32
    %sign3A_35 = arith.subi %sign3A_31, %sign3A_34 : i32
    %sign3A_36 = arith.constant 0 : i32
    %sign3A_37 = arith.cmpi sgt, %jit3A_27, %sign3A_36 : i32
    %sign3A_38 = arith.extui %sign3A_37 : i1 to i32
    %sign3A_39 = arith.constant 0 : i32
    %sign3A_40 = arith.cmpi slt, %jit3A_27, %sign3A_39 : i32
    %sign3A_41 = arith.extui %sign3A_40 : i1 to i32
    %sign3A_42 = arith.subi %sign3A_38, %sign3A_41 : i32
    %ne3A_43 = arith.cmpi ne, %sign3A_35, %sign3A_42 : i32
    %rem3A_44 = arith.remsi %add3A_26, %jit3A_27 : i32
    %ne3A_45 = arith.constant 0 : i32
    %ne3A_46 = arith.cmpi ne, %rem3A_44, %ne3A_45 : i32
    %and3A_47 = arith.andi %ne3A_43, %ne3A_46 : i1
    %sub3A_48 = arith.constant 1 : i32
    %sub3A_49 = arith.subi %div3A_28, %sub3A_48 : i32
    %select_n3A_50 = arith.select %and3A_47, %sub3A_49, %div3A_28 : i32
    %sub3A_51 = arith.subi %select_n3A_50, %select_n3A : i32
    %jit3A_52 = arith.constant 4 : i32
    %div3A_53 = arith.divsi %select_n3A, %jit3A_52 : i32
    %sign3A_54 = arith.constant 0 : i32
    %sign3A_55 = arith.cmpi sgt, %select_n3A, %sign3A_54 : i32
    %sign3A_56 = arith.extui %sign3A_55 : i1 to i32
    %sign3A_57 = arith.constant 0 : i32
    %sign3A_58 = arith.cmpi slt, %select_n3A, %sign3A_57 : i32
    %sign3A_59 = arith.extui %sign3A_58 : i1 to i32
    %sign3A_60 = arith.subi %sign3A_56, %sign3A_59 : i32
    %sign3A_61 = arith.constant 0 : i32
    %sign3A_62 = arith.cmpi sgt, %jit3A_52, %sign3A_61 : i32
    %sign3A_63 = arith.extui %sign3A_62 : i1 to i32
    %sign3A_64 = arith.constant 0 : i32
    %sign3A_65 = arith.cmpi slt, %jit3A_52, %sign3A_64 : i32
    %sign3A_66 = arith.extui %sign3A_65 : i1 to i32
    %sign3A_67 = arith.subi %sign3A_63, %sign3A_66 : i32
    %ne3A_68 = arith.cmpi ne, %sign3A_60, %sign3A_67 : i32
    %rem3A_69 = arith.remsi %select_n3A, %jit3A_52 : i32
    %ne3A_70 = arith.constant 0 : i32
    %ne3A_71 = arith.cmpi ne, %rem3A_69, %ne3A_70 : i32
    %and3A_72 = arith.andi %ne3A_68, %ne3A_71 : i1
    %sub3A_73 = arith.constant 1 : i32
    %sub3A_74 = arith.subi %div3A_53, %sub3A_73 : i32
    %select_n3A_75 = arith.select %and3A_72, %sub3A_74, %div3A_53 : i32
    %min3A = arith.constant 188 : i32
    %min3A_76 = arith.minsi %select_n3A_75, %min3A : i32
    %mul3A_77 = arith.constant 1920 : i32
    %mul3A_78 = arith.muli %min3A_76, %mul3A_77 : i32
    %dma_start3A = tpu.memref_slice %arg2[%mul3A_78] : memref<376320xf32, #tpu.memory_space<hbm>> -> memref<15360xf32, #tpu.memory_space<hbm>>
    %dma_start3A_79 = tpu.memref_slice %arg2[%mul3A_78] : memref<376320xf32, #tpu.memory_space<hbm>> -> memref<15360xf32, #tpu.memory_space<hbm>>
    tpu.enqueue_dma source(%dma_start3A_79 : memref<15360xf32, #tpu.memory_space<hbm>>) target(%arg5 : memref<15360xf32, #tpu.memory_space<vmem>>) target_semaphore(%arg8 : memref<!tpu.dma_semaphore, #tpu.memory_space<semaphore_mem>>)
    %dma_start3A_80 = tpu.memref_slice %arg3[%mul3A_78] : memref<376320xf32, #tpu.memory_space<hbm>> -> memref<15360xf32, #tpu.memory_space<hbm>>
    %dma_start3A_81 = tpu.memref_slice %arg3[%mul3A_78] : memref<376320xf32, #tpu.memory_space<hbm>> -> memref<15360xf32, #tpu.memory_space<hbm>>
    tpu.enqueue_dma source(%dma_start3A_81 : memref<15360xf32, #tpu.memory_space<hbm>>) target(%arg6 : memref<15360xf32, #tpu.memory_space<vmem>>) target_semaphore(%arg9 : memref<!tpu.dma_semaphore, #tpu.memory_space<semaphore_mem>>)
    %dma_wait3A = tpu.memref_slice %arg2[%mul3A_78] : memref<376320xf32, #tpu.memory_space<hbm>> -> memref<15360xf32, #tpu.memory_space<hbm>>
    %dma_wait3A_82 = tpu.memref_slice %arg2[%mul3A_78] : memref<376320xf32, #tpu.memory_space<hbm>> -> memref<15360xf32, #tpu.memory_space<hbm>>
    tpu.wait_dma2 semaphore(%arg8 : memref<!tpu.dma_semaphore, #tpu.memory_space<semaphore_mem>>) src(%dma_wait3A_82 : memref<15360xf32, #tpu.memory_space<hbm>>) dst(%arg5 : memref<15360xf32, #tpu.memory_space<vmem>>)
    %dma_wait3A_83 = tpu.memref_slice %arg3[%mul3A_78] : memref<376320xf32, #tpu.memory_space<hbm>> -> memref<15360xf32, #tpu.memory_space<hbm>>
    %dma_wait3A_84 = tpu.memref_slice %arg3[%mul3A_78] : memref<376320xf32, #tpu.memory_space<hbm>> -> memref<15360xf32, #tpu.memory_space<hbm>>
    tpu.wait_dma2 semaphore(%arg9 : memref<!tpu.dma_semaphore, #tpu.memory_space<semaphore_mem>>) src(%dma_wait3A_84 : memref<15360xf32, #tpu.memory_space<hbm>>) dst(%arg6 : memref<15360xf32, #tpu.memory_space<vmem>>)
    %broadcast_in_dim3A = arith.constant 0.000000e+00 : f32
    %broadcast_in_dim3A_85 = vector.broadcast %broadcast_in_dim3A : f32 to vector<16xf32>
    %parallel_loop3A = arith.constant 0 : i32
    %parallel_loop3A_86 = arith.constant 1 : i32
    %parallel_loop3A_87 = scf.for %parallel_loop3A_92 = %parallel_loop3A to %sub3A_51 step %parallel_loop3A_86 iter_args(%parallel_loop3A_93 = %broadcast_in_dim3A_85) -> (vector<16xf32>)  : i32 {
      %parallel_loop3A_94 = arith.addi %select_n3A, %parallel_loop3A_92 : i32
      %parallel_loop3A_95 = arith.constant 4 : i32
      %parallel_loop3A_96 = arith.divsi %parallel_loop3A_94, %parallel_loop3A_95 : i32
      %parallel_loop3A_97 = arith.constant 0 : i32
      %parallel_loop3A_98 = arith.cmpi sgt, %parallel_loop3A_94, %parallel_loop3A_97 : i32
      %parallel_loop3A_99 = arith.extui %parallel_loop3A_98 : i1 to i32
      %parallel_loop3A_100 = arith.constant 0 : i32
      %parallel_loop3A_101 = arith.cmpi slt, %parallel_loop3A_94, %parallel_loop3A_100 : i32
      %parallel_loop3A_102 = arith.extui %parallel_loop3A_101 : i1 to i32
      %parallel_loop3A_103 = arith.subi %parallel_loop3A_99, %parallel_loop3A_102 : i32
      %parallel_loop3A_104 = arith.constant 0 : i32
      %parallel_loop3A_105 = arith.cmpi sgt, %parallel_loop3A_95, %parallel_loop3A_104 : i32
      %parallel_loop3A_106 = arith.extui %parallel_loop3A_105 : i1 to i32
      %parallel_loop3A_107 = arith.constant 0 : i32
      %parallel_loop3A_108 = arith.cmpi slt, %parallel_loop3A_95, %parallel_loop3A_107 : i32
      %parallel_loop3A_109 = arith.extui %parallel_loop3A_108 : i1 to i32
      %parallel_loop3A_110 = arith.subi %parallel_loop3A_106, %parallel_loop3A_109 : i32
      %parallel_loop3A_111 = arith.cmpi ne, %parallel_loop3A_103, %parallel_loop3A_110 : i32
      %parallel_loop3A_112 = arith.remsi %parallel_loop3A_94, %parallel_loop3A_95 : i32
      %parallel_loop3A_113 = arith.constant 0 : i32
      %parallel_loop3A_114 = arith.cmpi ne, %parallel_loop3A_112, %parallel_loop3A_113 : i32
      %parallel_loop3A_115 = arith.andi %parallel_loop3A_111, %parallel_loop3A_114 : i1
      %parallel_loop3A_116 = arith.constant 1 : i32
      %parallel_loop3A_117 = arith.subi %parallel_loop3A_96, %parallel_loop3A_116 : i32
      %parallel_loop3A_118 = arith.select %parallel_loop3A_115, %parallel_loop3A_117, %parallel_loop3A_96 : i32
      %parallel_loop3A_119 = arith.subi %parallel_loop3A_118, %min3A_76 : i32
      %parallel_loop3A_120 = arith.constant 1920 : i32
      %parallel_loop3A_121 = arith.muli %parallel_loop3A_119, %parallel_loop3A_120 : i32
      %parallel_loop3A_122 = arith.constant 4 : i32
      %parallel_loop3A_123 = arith.constant 0 : i32
      %parallel_loop3A_124 = arith.cmpi eq, %parallel_loop3A_122, %parallel_loop3A_123 : i32
      %parallel_loop3A_125 = arith.constant 1 : i32
      %parallel_loop3A_126 = arith.select %parallel_loop3A_124, %parallel_loop3A_125, %parallel_loop3A_122 : i32
      %parallel_loop3A_127 = arith.remsi %parallel_loop3A_94, %parallel_loop3A_126 : i32
      %parallel_loop3A_128 = arith.constant 0 : i32
      %parallel_loop3A_129 = arith.cmpi ne, %parallel_loop3A_127, %parallel_loop3A_128 : i32
      %parallel_loop3A_130 = arith.constant 0 : i32
      %parallel_loop3A_131 = arith.cmpi slt, %parallel_loop3A_127, %parallel_loop3A_130 : i32
      %parallel_loop3A_132 = arith.constant 0 : i32
      %parallel_loop3A_133 = arith.cmpi slt, %parallel_loop3A_126, %parallel_loop3A_132 : i32
      %parallel_loop3A_134 = arith.xori %parallel_loop3A_131, %parallel_loop3A_133 : i1
      %parallel_loop3A_135 = arith.andi %parallel_loop3A_134, %parallel_loop3A_129 : i1
      %parallel_loop3A_136 = arith.addi %parallel_loop3A_127, %parallel_loop3A_126 : i32
      %parallel_loop3A_137 = arith.select %parallel_loop3A_135, %parallel_loop3A_136, %parallel_loop3A_127 : i32
      %parallel_loop3A_138 = arith.constant 16 : i32
      %parallel_loop3A_139 = arith.muli %parallel_loop3A_137, %parallel_loop3A_138 : i32
      %parallel_loop3A_140 = arith.addi %parallel_loop3A_121, %parallel_loop3A_139 : i32
      %parallel_loop3A_141 = arith.constant 0 : i32
      %parallel_loop3A_142 = arith.addi %parallel_loop3A_140, %parallel_loop3A_141 : i32
      %parallel_loop3A_143 = arith.index_cast %parallel_loop3A_142 : i32 to index
      %parallel_loop3A_144 = tpu.vector_load %arg5[%parallel_loop3A_143] {strides = array<i32>} : memref<15360xf32, #tpu.memory_space<vmem>>, vector<16xf32>,
      %parallel_loop3A_145 = arith.constant 64 : i32
      %parallel_loop3A_146 = arith.addi %parallel_loop3A_140, %parallel_loop3A_145 : i32
      %parallel_loop3A_147 = arith.index_cast %parallel_loop3A_146 : i32 to index
      %parallel_loop3A_148 = tpu.vector_load %arg5[%parallel_loop3A_147] {strides = array<i32>} : memref<15360xf32, #tpu.memory_space<vmem>>, vector<16xf32>,
      %parallel_loop3A_149 = arith.constant 128 : i32
      %parallel_loop3A_150 = arith.addi %parallel_loop3A_140, %parallel_loop3A_149 : i32
      %parallel_loop3A_151 = arith.index_cast %parallel_loop3A_150 : i32 to index
      %parallel_loop3A_152 = tpu.vector_load %arg5[%parallel_loop3A_151] {strides = array<i32>} : memref<15360xf32, #tpu.memory_space<vmem>>, vector<16xf32>,
      %parallel_loop3A_153 = arith.constant 192 : i32
      %parallel_loop3A_154 = arith.addi %parallel_loop3A_140, %parallel_loop3A_153 : i32
      %parallel_loop3A_155 = arith.index_cast %parallel_loop3A_154 : i32 to index
      %parallel_loop3A_156 = tpu.vector_load %arg5[%parallel_loop3A_155] {strides = array<i32>} : memref<15360xf32, #tpu.memory_space<vmem>>, vector<16xf32>,
      %parallel_loop3A_157 = arith.constant 256 : i32
      %parallel_loop3A_158 = arith.addi %parallel_loop3A_140, %parallel_loop3A_157 : i32
      %parallel_loop3A_159 = arith.index_cast %parallel_loop3A_158 : i32 to index
      %parallel_loop3A_160 = tpu.vector_load %arg5[%parallel_loop3A_159] {strides = array<i32>} : memref<15360xf32, #tpu.memory_space<vmem>>, vector<16xf32>,
      %parallel_loop3A_161 = arith.constant 320 : i32
      %parallel_loop3A_162 = arith.addi %parallel_loop3A_140, %parallel_loop3A_161 : i32
      %parallel_loop3A_163 = arith.index_cast %parallel_loop3A_162 : i32 to index
      %parallel_loop3A_164 = tpu.vector_load %arg5[%parallel_loop3A_163] {strides = array<i32>} : memref<15360xf32, #tpu.memory_space<vmem>>, vector<16xf32>,
      %parallel_loop3A_165 = arith.constant 384 : i32
      %parallel_loop3A_166 = arith.addi %parallel_loop3A_140, %parallel_loop3A_165 : i32
      %parallel_loop3A_167 = arith.index_cast %parallel_loop3A_166 : i32 to index
      %parallel_loop3A_168 = tpu.vector_load %arg5[%parallel_loop3A_167] {strides = array<i32>} : memref<15360xf32, #tpu.memory_space<vmem>>, vector<16xf32>,
      %parallel_loop3A_169 = arith.constant 448 : i32
      %parallel_loop3A_170 = arith.addi %parallel_loop3A_140, %parallel_loop3A_169 : i32
      %parallel_loop3A_171 = arith.index_cast %parallel_loop3A_170 : i32 to index
      %parallel_loop3A_172 = tpu.vector_load %arg5[%parallel_loop3A_171] {strides = array<i32>} : memref<15360xf32, #tpu.memory_space<vmem>>, vector<16xf32>,
      %parallel_loop3A_173 = arith.constant 512 : i32
      %parallel_loop3A_174 = arith.addi %parallel_loop3A_140, %parallel_loop3A_173 : i32
      %parallel_loop3A_175 = arith.index_cast %parallel_loop3A_174 : i32 to index
      %parallel_loop3A_176 = tpu.vector_load %arg5[%parallel_loop3A_175] {strides = array<i32>} : memref<15360xf32, #tpu.memory_space<vmem>>, vector<16xf32>,
      %parallel_loop3A_177 = arith.constant 576 : i32
      %parallel_loop3A_178 = arith.addi %parallel_loop3A_140, %parallel_loop3A_177 : i32
      %parallel_loop3A_179 = arith.index_cast %parallel_loop3A_178 : i32 to index
      %parallel_loop3A_180 = tpu.vector_load %arg5[%parallel_loop3A_179] {strides = array<i32>} : memref<15360xf32, #tpu.memory_space<vmem>>, vector<16xf32>,
      %parallel_loop3A_181 = arith.constant 0 : i32
      %parallel_loop3A_182 = arith.addi %parallel_loop3A_140, %parallel_loop3A_181 : i32
      %parallel_loop3A_183 = arith.index_cast %parallel_loop3A_182 : i32 to index
      %parallel_loop3A_184 = tpu.vector_load %arg6[%parallel_loop3A_183] {strides = array<i32>} : memref<15360xf32, #tpu.memory_space<vmem>>, vector<16xf32>,
      %parallel_loop3A_185 = arith.constant 64 : i32
      %parallel_loop3A_186 = arith.addi %parallel_loop3A_140, %parallel_loop3A_185 : i32
      %parallel_loop3A_187 = arith.index_cast %parallel_loop3A_186 : i32 to index
      %parallel_loop3A_188 = tpu.vector_load %arg6[%parallel_loop3A_187] {strides = array<i32>} : memref<15360xf32, #tpu.memory_space<vmem>>, vector<16xf32>,
      %parallel_loop3A_189 = arith.constant 128 : i32
      %parallel_loop3A_190 = arith.addi %parallel_loop3A_140, %parallel_loop3A_189 : i32
      %parallel_loop3A_191 = arith.index_cast %parallel_loop3A_190 : i32 to index
      %parallel_loop3A_192 = tpu.vector_load %arg6[%parallel_loop3A_191] {strides = array<i32>} : memref<15360xf32, #tpu.memory_space<vmem>>, vector<16xf32>,
      %parallel_loop3A_193 = arith.constant 192 : i32
      %parallel_loop3A_194 = arith.addi %parallel_loop3A_140, %parallel_loop3A_193 : i32
      %parallel_loop3A_195 = arith.index_cast %parallel_loop3A_194 : i32 to index
      %parallel_loop3A_196 = tpu.vector_load %arg6[%parallel_loop3A_195] {strides = array<i32>} : memref<15360xf32, #tpu.memory_space<vmem>>, vector<16xf32>,
      %parallel_loop3A_197 = arith.constant 256 : i32
      %parallel_loop3A_198 = arith.addi %parallel_loop3A_140, %parallel_loop3A_197 : i32
      %parallel_loop3A_199 = arith.index_cast %parallel_loop3A_198 : i32 to index
      %parallel_loop3A_200 = tpu.vector_load %arg6[%parallel_loop3A_199] {strides = array<i32>} : memref<15360xf32, #tpu.memory_space<vmem>>, vector<16xf32>,
      %parallel_loop3A_201 = arith.constant 320 : i32
      %parallel_loop3A_202 = arith.addi %parallel_loop3A_140, %parallel_loop3A_201 : i32
      %parallel_loop3A_203 = arith.index_cast %parallel_loop3A_202 : i32 to index
      %parallel_loop3A_204 = tpu.vector_load %arg6[%parallel_loop3A_203] {strides = array<i32>} : memref<15360xf32, #tpu.memory_space<vmem>>, vector<16xf32>,
      %parallel_loop3A_205 = arith.constant 384 : i32
      %parallel_loop3A_206 = arith.addi %parallel_loop3A_140, %parallel_loop3A_205 : i32
      %parallel_loop3A_207 = arith.index_cast %parallel_loop3A_206 : i32 to index
      %parallel_loop3A_208 = tpu.vector_load %arg6[%parallel_loop3A_207] {strides = array<i32>} : memref<15360xf32, #tpu.memory_space<vmem>>, vector<16xf32>,
      %parallel_loop3A_209 = arith.constant 448 : i32
      %parallel_loop3A_210 = arith.addi %parallel_loop3A_140, %parallel_loop3A_209 : i32
      %parallel_loop3A_211 = arith.index_cast %parallel_loop3A_210 : i32 to index
      %parallel_loop3A_212 = tpu.vector_load %arg6[%parallel_loop3A_211] {strides = array<i32>} : memref<15360xf32, #tpu.memory_space<vmem>>, vector<16xf32>,
      %parallel_loop3A_213 = arith.constant 512 : i32
      %parallel_loop3A_214 = arith.addi %parallel_loop3A_140, %parallel_loop3A_213 : i32
      %parallel_loop3A_215 = arith.index_cast %parallel_loop3A_214 : i32 to index
      %parallel_loop3A_216 = tpu.vector_load %arg6[%parallel_loop3A_215] {strides = array<i32>} : memref<15360xf32, #tpu.memory_space<vmem>>, vector<16xf32>,
      %parallel_loop3A_217 = arith.constant 576 : i32
      %parallel_loop3A_218 = arith.addi %parallel_loop3A_140, %parallel_loop3A_217 : i32
      %parallel_loop3A_219 = arith.index_cast %parallel_loop3A_218 : i32 to index
      %parallel_loop3A_220 = tpu.vector_load %arg6[%parallel_loop3A_219] {strides = array<i32>} : memref<15360xf32, #tpu.memory_space<vmem>>, vector<16xf32>,
      %parallel_loop3A_221 = arith.constant 0.000000e+00 : f32
      %parallel_loop3A_222 = vector.broadcast %parallel_loop3A_221 : f32 to vector<16xf32>
      %parallel_loop3A_223 = arith.cmpf ogt, %parallel_loop3A_200, %parallel_loop3A_222 : vector<16xf32>
      %parallel_loop3A_224 = arith.constant 0.000000e+00 : f32
      %parallel_loop3A_225 = vector.broadcast %parallel_loop3A_224 : f32 to vector<16xf32>
      %parallel_loop3A_226 = arith.cmpf oeq, %parallel_loop3A_200, %parallel_loop3A_225 : vector<16xf32>
      %parallel_loop3A_227 = arith.subf %parallel_loop3A_160, %parallel_loop3A_200 : vector<16xf32>
      %parallel_loop3A_228 = arith.subf %parallel_loop3A_180, %parallel_loop3A_220 : vector<16xf32>
      %parallel_loop3A_229 = arith.mulf %parallel_loop3A_227, %parallel_loop3A_227 : vector<16xf32>
      %parallel_loop3A_230 = arith.mulf %parallel_loop3A_228, %parallel_loop3A_228 : vector<16xf32>
      %parallel_loop3A_231 = arith.addf %parallel_loop3A_229, %parallel_loop3A_230 : vector<16xf32>
      %parallel_loop3A_232 = arith.constant 0.0714285746 : f32
      %parallel_loop3A_233 = vector.broadcast %parallel_loop3A_232 : f32 to vector<16xf32>
      %parallel_loop3A_234 = arith.mulf %parallel_loop3A_184, %parallel_loop3A_233 : vector<16xf32>
      %parallel_loop3A_235 = arith.constant 5.000000e-01 : f32
      %parallel_loop3A_236 = vector.broadcast %parallel_loop3A_235 : f32 to vector<16xf32>
      %parallel_loop3A_237 = arith.mulf %parallel_loop3A_236, %parallel_loop3A_192 : vector<16xf32>
      %parallel_loop3A_238 = arith.subf %parallel_loop3A_234, %parallel_loop3A_237 : vector<16xf32>
      %parallel_loop3A_239 = arith.constant 0.0714285746 : f32
      %parallel_loop3A_240 = vector.broadcast %parallel_loop3A_239 : f32 to vector<16xf32>
      %parallel_loop3A_241 = arith.mulf %parallel_loop3A_184, %parallel_loop3A_240 : vector<16xf32>
      %parallel_loop3A_242 = arith.constant 5.000000e-01 : f32
      %parallel_loop3A_243 = vector.broadcast %parallel_loop3A_242 : f32 to vector<16xf32>
      %parallel_loop3A_244 = arith.mulf %parallel_loop3A_243, %parallel_loop3A_192 : vector<16xf32>
      %parallel_loop3A_245 = arith.addf %parallel_loop3A_241, %parallel_loop3A_244 : vector<16xf32>
      %parallel_loop3A_246 = arith.constant 0.0714285746 : f32
      %parallel_loop3A_247 = vector.broadcast %parallel_loop3A_246 : f32 to vector<16xf32>
      %parallel_loop3A_248 = arith.mulf %parallel_loop3A_188, %parallel_loop3A_247 : vector<16xf32>
      %parallel_loop3A_249 = arith.constant 5.000000e-01 : f32
      %parallel_loop3A_250 = vector.broadcast %parallel_loop3A_249 : f32 to vector<16xf32>
      %parallel_loop3A_251 = arith.mulf %parallel_loop3A_250, %parallel_loop3A_196 : vector<16xf32>
      %parallel_loop3A_252 = arith.subf %parallel_loop3A_248, %parallel_loop3A_251 : vector<16xf32>
      %parallel_loop3A_253 = arith.constant 0.0714285746 : f32
      %parallel_loop3A_254 = vector.broadcast %parallel_loop3A_253 : f32 to vector<16xf32>
      %parallel_loop3A_255 = arith.mulf %parallel_loop3A_188, %parallel_loop3A_254 : vector<16xf32>
      %parallel_loop3A_256 = arith.constant 5.000000e-01 : f32
      %parallel_loop3A_257 = vector.broadcast %parallel_loop3A_256 : f32 to vector<16xf32>
      %parallel_loop3A_258 = arith.mulf %parallel_loop3A_257, %parallel_loop3A_196 : vector<16xf32>
      %parallel_loop3A_259 = arith.addf %parallel_loop3A_255, %parallel_loop3A_258 : vector<16xf32>
      %parallel_loop3A_260 = arith.subf %parallel_loop3A_245, %parallel_loop3A_238 : vector<16xf32>
      %parallel_loop3A_261 = arith.subf %parallel_loop3A_259, %parallel_loop3A_252 : vector<16xf32>
      %parallel_loop3A_262 = arith.mulf %parallel_loop3A_260, %parallel_loop3A_261 : vector<16xf32>
      %parallel_loop3A_263 = arith.constant 0.0714285746 : f32
      %parallel_loop3A_264 = vector.broadcast %parallel_loop3A_263 : f32 to vector<16xf32>
      %parallel_loop3A_265 = arith.mulf %parallel_loop3A_144, %parallel_loop3A_264 : vector<16xf32>
      %parallel_loop3A_266 = arith.constant 5.000000e-01 : f32
      %parallel_loop3A_267 = vector.broadcast %parallel_loop3A_266 : f32 to vector<16xf32>
      %parallel_loop3A_268 = arith.mulf %parallel_loop3A_267, %parallel_loop3A_152 : vector<16xf32>
      %parallel_loop3A_269 = arith.subf %parallel_loop3A_265, %parallel_loop3A_268 : vector<16xf32>
      %parallel_loop3A_270 = arith.constant 0.0714285746 : f32
      %parallel_loop3A_271 = vector.broadcast %parallel_loop3A_270 : f32 to vector<16xf32>
      %parallel_loop3A_272 = arith.mulf %parallel_loop3A_144, %parallel_loop3A_271 : vector<16xf32>
      %parallel_loop3A_273 = arith.constant 5.000000e-01 : f32
      %parallel_loop3A_274 = vector.broadcast %parallel_loop3A_273 : f32 to vector<16xf32>
      %parallel_loop3A_275 = arith.mulf %parallel_loop3A_274, %parallel_loop3A_152 : vector<16xf32>
      %parallel_loop3A_276 = arith.addf %parallel_loop3A_272, %parallel_loop3A_275 : vector<16xf32>
      %parallel_loop3A_277 = arith.constant 0.0714285746 : f32
      %parallel_loop3A_278 = vector.broadcast %parallel_loop3A_277 : f32 to vector<16xf32>
      %parallel_loop3A_279 = arith.mulf %parallel_loop3A_148, %parallel_loop3A_278 : vector<16xf32>
      %parallel_loop3A_280 = arith.constant 5.000000e-01 : f32
      %parallel_loop3A_281 = vector.broadcast %parallel_loop3A_280 : f32 to vector<16xf32>
      %parallel_loop3A_282 = arith.mulf %parallel_loop3A_281, %parallel_loop3A_156 : vector<16xf32>
      %parallel_loop3A_283 = arith.subf %parallel_loop3A_279, %parallel_loop3A_282 : vector<16xf32>
      %parallel_loop3A_284 = arith.constant 0.0714285746 : f32
      %parallel_loop3A_285 = vector.broadcast %parallel_loop3A_284 : f32 to vector<16xf32>
      %parallel_loop3A_286 = arith.mulf %parallel_loop3A_148, %parallel_loop3A_285 : vector<16xf32>
      %parallel_loop3A_287 = arith.constant 5.000000e-01 : f32
      %parallel_loop3A_288 = vector.broadcast %parallel_loop3A_287 : f32 to vector<16xf32>
      %parallel_loop3A_289 = arith.mulf %parallel_loop3A_288, %parallel_loop3A_156 : vector<16xf32>
      %parallel_loop3A_290 = arith.addf %parallel_loop3A_286, %parallel_loop3A_289 : vector<16xf32>
      %parallel_loop3A_291 = arith.minimumf %parallel_loop3A_276, %parallel_loop3A_245 : vector<16xf32>
      %parallel_loop3A_292 = arith.maximumf %parallel_loop3A_269, %parallel_loop3A_238 : vector<16xf32>
      %parallel_loop3A_293 = arith.subf %parallel_loop3A_291, %parallel_loop3A_292 : vector<16xf32>
      %parallel_loop3A_294 = arith.constant 0.000000e+00 : f32
      %parallel_loop3A_295 = vector.broadcast %parallel_loop3A_294 : f32 to vector<16xf32>
      %parallel_loop3A_296 = arith.maximumf %parallel_loop3A_293, %parallel_loop3A_295 : vector<16xf32>
      %parallel_loop3A_297 = arith.minimumf %parallel_loop3A_290, %parallel_loop3A_259 : vector<16xf32>
      %parallel_loop3A_298 = arith.maximumf %parallel_loop3A_283, %parallel_loop3A_252 : vector<16xf32>
      %parallel_loop3A_299 = arith.subf %parallel_loop3A_297, %parallel_loop3A_298 : vector<16xf32>
      %parallel_loop3A_300 = arith.constant 0.000000e+00 : f32
      %parallel_loop3A_301 = vector.broadcast %parallel_loop3A_300 : f32 to vector<16xf32>
      %parallel_loop3A_302 = arith.maximumf %parallel_loop3A_299, %parallel_loop3A_301 : vector<16xf32>
      %parallel_loop3A_303 = arith.mulf %parallel_loop3A_296, %parallel_loop3A_302 : vector<16xf32>
      %parallel_loop3A_304 = arith.subf %parallel_loop3A_276, %parallel_loop3A_269 : vector<16xf32>
      %parallel_loop3A_305 = arith.subf %parallel_loop3A_290, %parallel_loop3A_283 : vector<16xf32>
      %parallel_loop3A_306 = arith.mulf %parallel_loop3A_304, %parallel_loop3A_305 : vector<16xf32>
      %parallel_loop3A_307 = arith.addf %parallel_loop3A_306, %parallel_loop3A_262 : vector<16xf32>
      %parallel_loop3A_308 = arith.subf %parallel_loop3A_307, %parallel_loop3A_303 : vector<16xf32>
      %parallel_loop3A_309 = arith.divf %parallel_loop3A_303, %parallel_loop3A_308 : vector<16xf32>
      %parallel_loop3A_310 = arith.constant 0.0714285746 : f32
      %parallel_loop3A_311 = vector.broadcast %parallel_loop3A_310 : f32 to vector<16xf32>
      %parallel_loop3A_312 = arith.mulf %parallel_loop3A_164, %parallel_loop3A_311 : vector<16xf32>
      %parallel_loop3A_313 = arith.constant 5.000000e-01 : f32
      %parallel_loop3A_314 = vector.broadcast %parallel_loop3A_313 : f32 to vector<16xf32>
      %parallel_loop3A_315 = arith.mulf %parallel_loop3A_314, %parallel_loop3A_172 : vector<16xf32>
      %parallel_loop3A_316 = arith.subf %parallel_loop3A_312, %parallel_loop3A_315 : vector<16xf32>
      %parallel_loop3A_317 = arith.constant 0.0714285746 : f32
      %parallel_loop3A_318 = vector.broadcast %parallel_loop3A_317 : f32 to vector<16xf32>
      %parallel_loop3A_319 = arith.mulf %parallel_loop3A_164, %parallel_loop3A_318 : vector<16xf32>
      %parallel_loop3A_320 = arith.constant 5.000000e-01 : f32
      %parallel_loop3A_321 = vector.broadcast %parallel_loop3A_320 : f32 to vector<16xf32>
      %parallel_loop3A_322 = arith.mulf %parallel_loop3A_321, %parallel_loop3A_172 : vector<16xf32>
      %parallel_loop3A_323 = arith.addf %parallel_loop3A_319, %parallel_loop3A_322 : vector<16xf32>
      %parallel_loop3A_324 = arith.constant 0.0714285746 : f32
      %parallel_loop3A_325 = vector.broadcast %parallel_loop3A_324 : f32 to vector<16xf32>
      %parallel_loop3A_326 = arith.mulf %parallel_loop3A_168, %parallel_loop3A_325 : vector<16xf32>
      %parallel_loop3A_327 = arith.constant 5.000000e-01 : f32
      %parallel_loop3A_328 = vector.broadcast %parallel_loop3A_327 : f32 to vector<16xf32>
      %parallel_loop3A_329 = arith.mulf %parallel_loop3A_328, %parallel_loop3A_176 : vector<16xf32>
      %parallel_loop3A_330 = arith.subf %parallel_loop3A_326, %parallel_loop3A_329 : vector<16xf32>
      %parallel_loop3A_331 = arith.constant 0.0714285746 : f32
      %parallel_loop3A_332 = vector.broadcast %parallel_loop3A_331 : f32 to vector<16xf32>
      %parallel_loop3A_333 = arith.mulf %parallel_loop3A_168, %parallel_loop3A_332 : vector<16xf32>
      %parallel_loop3A_334 = arith.constant 5.000000e-01 : f32
      %parallel_loop3A_335 = vector.broadcast %parallel_loop3A_334 : f32 to vector<16xf32>
      %parallel_loop3A_336 = arith.mulf %parallel_loop3A_335, %parallel_loop3A_176 : vector<16xf32>
      %parallel_loop3A_337 = arith.addf %parallel_loop3A_333, %parallel_loop3A_336 : vector<16xf32>
      %parallel_loop3A_338 = arith.minimumf %parallel_loop3A_323, %parallel_loop3A_245 : vector<16xf32>
      %parallel_loop3A_339 = arith.maximumf %parallel_loop3A_316, %parallel_loop3A_238 : vector<16xf32>
      %parallel_loop3A_340 = arith.subf %parallel_loop3A_338, %parallel_loop3A_339 : vector<16xf32>
      %parallel_loop3A_341 = arith.constant 0.000000e+00 : f32
      %parallel_loop3A_342 = vector.broadcast %parallel_loop3A_341 : f32 to vector<16xf32>
      %parallel_loop3A_343 = arith.maximumf %parallel_loop3A_340, %parallel_loop3A_342 : vector<16xf32>
      %parallel_loop3A_344 = arith.minimumf %parallel_loop3A_337, %parallel_loop3A_259 : vector<16xf32>
      %parallel_loop3A_345 = arith.maximumf %parallel_loop3A_330, %parallel_loop3A_252 : vector<16xf32>
      %parallel_loop3A_346 = arith.subf %parallel_loop3A_344, %parallel_loop3A_345 : vector<16xf32>
      %parallel_loop3A_347 = arith.constant 0.000000e+00 : f32
      %parallel_loop3A_348 = vector.broadcast %parallel_loop3A_347 : f32 to vector<16xf32>
      %parallel_loop3A_349 = arith.maximumf %parallel_loop3A_346, %parallel_loop3A_348 : vector<16xf32>
      %parallel_loop3A_350 = arith.mulf %parallel_loop3A_343, %parallel_loop3A_349 : vector<16xf32>
      %parallel_loop3A_351 = arith.subf %parallel_loop3A_323, %parallel_loop3A_316 : vector<16xf32>
      %parallel_loop3A_352 = arith.subf %parallel_loop3A_337, %parallel_loop3A_330 : vector<16xf32>
      %parallel_loop3A_353 = arith.mulf %parallel_loop3A_351, %parallel_loop3A_352 : vector<16xf32>
      %parallel_loop3A_354 = arith.addf %parallel_loop3A_353, %parallel_loop3A_262 : vector<16xf32>
      %parallel_loop3A_355 = arith.subf %parallel_loop3A_354, %parallel_loop3A_350 : vector<16xf32>
      %parallel_loop3A_356 = arith.divf %parallel_loop3A_350, %parallel_loop3A_355 : vector<16xf32>
      %parallel_loop3A_357 = arith.cmpf ogt, %parallel_loop3A_356, %parallel_loop3A_309 : vector<16xf32>
      %parallel_loop3A_358 = arith.maximumf %parallel_loop3A_309, %parallel_loop3A_356 : vector<16xf32>
      %parallel_loop3A_359 = arith.select %parallel_loop3A_357, %parallel_loop3A_164, %parallel_loop3A_144 : vector<16xi1>, vector<16xf32>
      %parallel_loop3A_360 = arith.select %parallel_loop3A_357, %parallel_loop3A_168, %parallel_loop3A_148 : vector<16xi1>, vector<16xf32>
      %parallel_loop3A_361 = arith.select %parallel_loop3A_357, %parallel_loop3A_172, %parallel_loop3A_152 : vector<16xi1>, vector<16xf32>
      %parallel_loop3A_362 = arith.select %parallel_loop3A_357, %parallel_loop3A_176, %parallel_loop3A_156 : vector<16xi1>, vector<16xf32>
      %parallel_loop3A_363 = arith.select %parallel_loop3A_357, %parallel_loop3A_180, %parallel_loop3A_160 : vector<16xi1>, vector<16xf32>
      %parallel_loop3A_364 = arith.select %parallel_loop3A_357, %parallel_loop3A_160, %parallel_loop3A_180 : vector<16xi1>, vector<16xf32>
      %parallel_loop3A_365 = arith.select %parallel_loop3A_357, %parallel_loop3A_204, %parallel_loop3A_184 : vector<16xi1>, vector<16xf32>
      %parallel_loop3A_366 = arith.select %parallel_loop3A_357, %parallel_loop3A_208, %parallel_loop3A_188 : vector<16xi1>, vector<16xf32>
      %parallel_loop3A_367 = arith.select %parallel_loop3A_357, %parallel_loop3A_212, %parallel_loop3A_192 : vector<16xi1>, vector<16xf32>
      %parallel_loop3A_368 = arith.select %parallel_loop3A_357, %parallel_loop3A_216, %parallel_loop3A_196 : vector<16xi1>, vector<16xf32>
      %parallel_loop3A_369 = arith.subf %parallel_loop3A_359, %parallel_loop3A_365 : vector<16xf32>
      %parallel_loop3A_370 = arith.subf %parallel_loop3A_360, %parallel_loop3A_366 : vector<16xf32>
      %parallel_loop3A_371 = arith.mulf %parallel_loop3A_369, %parallel_loop3A_369 : vector<16xf32>
      %parallel_loop3A_372 = arith.mulf %parallel_loop3A_370, %parallel_loop3A_370 : vector<16xf32>
      %parallel_loop3A_373 = arith.addf %parallel_loop3A_371, %parallel_loop3A_372 : vector<16xf32>
      %parallel_loop3A_374 = arith.addf %parallel_loop3A_361, %parallel_loop3A_367 : vector<16xf32>
      %parallel_loop3A_375 = arith.mulf %parallel_loop3A_361, %parallel_loop3A_367 : vector<16xf32>
      %parallel_loop3A_376 = vector.bitcast %parallel_loop3A_375 : vector<16xf32> to vector<16xi32>
      %parallel_loop3A_377 = arith.constant 1 : i32
      %parallel_loop3A_378 = vector.broadcast %parallel_loop3A_377 : i32 to vector<16xi32>
      %parallel_loop3A_379 = arith.shrsi %parallel_loop3A_376, %parallel_loop3A_378 : vector<16xi32>
      %parallel_loop3A_380 = arith.constant 1597463007 : i32
      %parallel_loop3A_381 = vector.broadcast %parallel_loop3A_380 : i32 to vector<16xi32>
      %parallel_loop3A_382 = arith.subi %parallel_loop3A_381, %parallel_loop3A_379 : vector<16xi32>
      %parallel_loop3A_383 = vector.bitcast %parallel_loop3A_382 : vector<16xi32> to vector<16xf32>
      %parallel_loop3A_384 = arith.constant 5.000000e-01 : f32
      %parallel_loop3A_385 = vector.broadcast %parallel_loop3A_384 : f32 to vector<16xf32>
      %parallel_loop3A_386 = arith.mulf %parallel_loop3A_385, %parallel_loop3A_375 : vector<16xf32>
      %parallel_loop3A_387 = arith.mulf %parallel_loop3A_386, %parallel_loop3A_383 : vector<16xf32>
      %parallel_loop3A_388 = arith.mulf %parallel_loop3A_387, %parallel_loop3A_383 : vector<16xf32>
      %parallel_loop3A_389 = arith.constant 1.500000e+00 : f32
      %parallel_loop3A_390 = vector.broadcast %parallel_loop3A_389 : f32 to vector<16xf32>
      %parallel_loop3A_391 = arith.subf %parallel_loop3A_390, %parallel_loop3A_388 : vector<16xf32>
      %parallel_loop3A_392 = arith.mulf %parallel_loop3A_383, %parallel_loop3A_391 : vector<16xf32>
      %parallel_loop3A_393 = arith.mulf %parallel_loop3A_386, %parallel_loop3A_392 : vector<16xf32>
      %parallel_loop3A_394 = arith.mulf %parallel_loop3A_393, %parallel_loop3A_392 : vector<16xf32>
      %parallel_loop3A_395 = arith.constant 1.500000e+00 : f32
      %parallel_loop3A_396 = vector.broadcast %parallel_loop3A_395 : f32 to vector<16xf32>
      %parallel_loop3A_397 = arith.subf %parallel_loop3A_396, %parallel_loop3A_394 : vector<16xf32>
      %parallel_loop3A_398 = arith.mulf %parallel_loop3A_392, %parallel_loop3A_397 : vector<16xf32>
      %parallel_loop3A_399 = arith.mulf %parallel_loop3A_375, %parallel_loop3A_398 : vector<16xf32>
      %parallel_loop3A_400 = arith.constant 2.000000e+00 : f32
      %parallel_loop3A_401 = vector.broadcast %parallel_loop3A_400 : f32 to vector<16xf32>
      %parallel_loop3A_402 = arith.mulf %parallel_loop3A_401, %parallel_loop3A_399 : vector<16xf32>
      %parallel_loop3A_403 = arith.subf %parallel_loop3A_374, %parallel_loop3A_402 : vector<16xf32>
      %parallel_loop3A_404 = arith.addf %parallel_loop3A_373, %parallel_loop3A_403 : vector<16xf32>
      %parallel_loop3A_405 = arith.addf %parallel_loop3A_362, %parallel_loop3A_368 : vector<16xf32>
      %parallel_loop3A_406 = arith.mulf %parallel_loop3A_362, %parallel_loop3A_368 : vector<16xf32>
      %parallel_loop3A_407 = vector.bitcast %parallel_loop3A_406 : vector<16xf32> to vector<16xi32>
      %parallel_loop3A_408 = arith.constant 1 : i32
      %parallel_loop3A_409 = vector.broadcast %parallel_loop3A_408 : i32 to vector<16xi32>
      %parallel_loop3A_410 = arith.shrsi %parallel_loop3A_407, %parallel_loop3A_409 : vector<16xi32>
      %parallel_loop3A_411 = arith.constant 1597463007 : i32
      %parallel_loop3A_412 = vector.broadcast %parallel_loop3A_411 : i32 to vector<16xi32>
      %parallel_loop3A_413 = arith.subi %parallel_loop3A_412, %parallel_loop3A_410 : vector<16xi32>
      %parallel_loop3A_414 = vector.bitcast %parallel_loop3A_413 : vector<16xi32> to vector<16xf32>
      %parallel_loop3A_415 = arith.constant 5.000000e-01 : f32
      %parallel_loop3A_416 = vector.broadcast %parallel_loop3A_415 : f32 to vector<16xf32>
      %parallel_loop3A_417 = arith.mulf %parallel_loop3A_416, %parallel_loop3A_406 : vector<16xf32>
      %parallel_loop3A_418 = arith.mulf %parallel_loop3A_417, %parallel_loop3A_414 : vector<16xf32>
      %parallel_loop3A_419 = arith.mulf %parallel_loop3A_418, %parallel_loop3A_414 : vector<16xf32>
      %parallel_loop3A_420 = arith.constant 1.500000e+00 : f32
      %parallel_loop3A_421 = vector.broadcast %parallel_loop3A_420 : f32 to vector<16xf32>
      %parallel_loop3A_422 = arith.subf %parallel_loop3A_421, %parallel_loop3A_419 : vector<16xf32>
      %parallel_loop3A_423 = arith.mulf %parallel_loop3A_414, %parallel_loop3A_422 : vector<16xf32>
      %parallel_loop3A_424 = arith.mulf %parallel_loop3A_417, %parallel_loop3A_423 : vector<16xf32>
      %parallel_loop3A_425 = arith.mulf %parallel_loop3A_424, %parallel_loop3A_423 : vector<16xf32>
      %parallel_loop3A_426 = arith.constant 1.500000e+00 : f32
      %parallel_loop3A_427 = vector.broadcast %parallel_loop3A_426 : f32 to vector<16xf32>
      %parallel_loop3A_428 = arith.subf %parallel_loop3A_427, %parallel_loop3A_425 : vector<16xf32>
      %parallel_loop3A_429 = arith.mulf %parallel_loop3A_423, %parallel_loop3A_428 : vector<16xf32>
      %parallel_loop3A_430 = arith.mulf %parallel_loop3A_406, %parallel_loop3A_429 : vector<16xf32>
      %parallel_loop3A_431 = arith.constant 2.000000e+00 : f32
      %parallel_loop3A_432 = vector.broadcast %parallel_loop3A_431 : f32 to vector<16xf32>
      %parallel_loop3A_433 = arith.mulf %parallel_loop3A_432, %parallel_loop3A_430 : vector<16xf32>
      %parallel_loop3A_434 = arith.subf %parallel_loop3A_405, %parallel_loop3A_433 : vector<16xf32>
      %parallel_loop3A_435 = arith.addf %parallel_loop3A_404, %parallel_loop3A_434 : vector<16xf32>
      %parallel_loop3A_436 = arith.subf %parallel_loop3A_363, %parallel_loop3A_358 : vector<16xf32>
      %parallel_loop3A_437 = arith.constant 0.000000e+00 : f32
      %parallel_loop3A_438 = vector.broadcast %parallel_loop3A_437 : f32 to vector<16xf32>
      %parallel_loop3A_439 = arith.constant 640 : i32
      %parallel_loop3A_440 = arith.addi %parallel_loop3A_140, %parallel_loop3A_439 : i32
      %parallel_loop3A_441 = arith.index_cast %parallel_loop3A_440 : i32 to index
      %parallel_loop3A_442 = tpu.vector_load %arg5[%parallel_loop3A_441] {strides = array<i32>} : memref<15360xf32, #tpu.memory_space<vmem>>, vector<16xf32>,
      %parallel_loop3A_443 = arith.constant 640 : i32
      %parallel_loop3A_444 = arith.addi %parallel_loop3A_140, %parallel_loop3A_443 : i32
      %parallel_loop3A_445 = arith.index_cast %parallel_loop3A_444 : i32 to index
      %parallel_loop3A_446 = tpu.vector_load %arg6[%parallel_loop3A_445] {strides = array<i32>} : memref<15360xf32, #tpu.memory_space<vmem>>, vector<16xf32>,
      %parallel_loop3A_447 = arith.subf %parallel_loop3A_442, %parallel_loop3A_446 : vector<16xf32>
      %parallel_loop3A_448 = arith.mulf %parallel_loop3A_447, %parallel_loop3A_447 : vector<16xf32>
      %parallel_loop3A_449 = arith.addf %parallel_loop3A_438, %parallel_loop3A_448 : vector<16xf32>
      %parallel_loop3A_450 = arith.constant 704 : i32
      %parallel_loop3A_451 = arith.addi %parallel_loop3A_140, %parallel_loop3A_450 : i32
      %parallel_loop3A_452 = arith.index_cast %parallel_loop3A_451 : i32 to index
      %parallel_loop3A_453 = tpu.vector_load %arg5[%parallel_loop3A_452] {strides = array<i32>} : memref<15360xf32, #tpu.memory_space<vmem>>, vector<16xf32>,
      %parallel_loop3A_454 = arith.constant 704 : i32
      %parallel_loop3A_455 = arith.addi %parallel_loop3A_140, %parallel_loop3A_454 : i32
      %parallel_loop3A_456 = arith.index_cast %parallel_loop3A_455 : i32 to index
      %parallel_loop3A_457 = tpu.vector_load %arg6[%parallel_loop3A_456] {strides = array<i32>} : memref<15360xf32, #tpu.memory_space<vmem>>, vector<16xf32>,
      %parallel_loop3A_458 = arith.subf %parallel_loop3A_453, %parallel_loop3A_457 : vector<16xf32>
      %parallel_loop3A_459 = arith.mulf %parallel_loop3A_458, %parallel_loop3A_458 : vector<16xf32>
      %parallel_loop3A_460 = arith.addf %parallel_loop3A_449, %parallel_loop3A_459 : vector<16xf32>
      %parallel_loop3A_461 = arith.constant 768 : i32
      %parallel_loop3A_462 = arith.addi %parallel_loop3A_140, %parallel_loop3A_461 : i32
      %parallel_loop3A_463 = arith.index_cast %parallel_loop3A_462 : i32 to index
      %parallel_loop3A_464 = tpu.vector_load %arg5[%parallel_loop3A_463] {strides = array<i32>} : memref<15360xf32, #tpu.memory_space<vmem>>, vector<16xf32>,
      %parallel_loop3A_465 = arith.constant 768 : i32
      %parallel_loop3A_466 = arith.addi %parallel_loop3A_140, %parallel_loop3A_465 : i32
      %parallel_loop3A_467 = arith.index_cast %parallel_loop3A_466 : i32 to index
      %parallel_loop3A_468 = tpu.vector_load %arg6[%parallel_loop3A_467] {strides = array<i32>} : memref<15360xf32, #tpu.memory_space<vmem>>, vector<16xf32>,
      %parallel_loop3A_469 = arith.subf %parallel_loop3A_464, %parallel_loop3A_468 : vector<16xf32>
      %parallel_loop3A_470 = arith.mulf %parallel_loop3A_469, %parallel_loop3A_469 : vector<16xf32>
      %parallel_loop3A_471 = arith.addf %parallel_loop3A_460, %parallel_loop3A_470 : vector<16xf32>
      %parallel_loop3A_472 = arith.constant 832 : i32
      %parallel_loop3A_473 = arith.addi %parallel_loop3A_140, %parallel_loop3A_472 : i32
      %parallel_loop3A_474 = arith.index_cast %parallel_loop3A_473 : i32 to index
      %parallel_loop3A_475 = tpu.vector_load %arg5[%parallel_loop3A_474] {strides = array<i32>} : memref<15360xf32, #tpu.memory_space<vmem>>, vector<16xf32>,
      %parallel_loop3A_476 = arith.constant 832 : i32
      %parallel_loop3A_477 = arith.addi %parallel_loop3A_140, %parallel_loop3A_476 : i32
      %parallel_loop3A_478 = arith.index_cast %parallel_loop3A_477 : i32 to index
      %parallel_loop3A_479 = tpu.vector_load %arg6[%parallel_loop3A_478] {strides = array<i32>} : memref<15360xf32, #tpu.memory_space<vmem>>, vector<16xf32>,
      %parallel_loop3A_480 = arith.subf %parallel_loop3A_475, %parallel_loop3A_479 : vector<16xf32>
      %parallel_loop3A_481 = arith.mulf %parallel_loop3A_480, %parallel_loop3A_480 : vector<16xf32>
      %parallel_loop3A_482 = arith.addf %parallel_loop3A_471, %parallel_loop3A_481 : vector<16xf32>
      %parallel_loop3A_483 = arith.constant 896 : i32
      %parallel_loop3A_484 = arith.addi %parallel_loop3A_140, %parallel_loop3A_483 : i32
      %parallel_loop3A_485 = arith.index_cast %parallel_loop3A_484 : i32 to index
      %parallel_loop3A_486 = tpu.vector_load %arg5[%parallel_loop3A_485] {strides = array<i32>} : memref<15360xf32, #tpu.memory_space<vmem>>, vector<16xf32>,
      %parallel_loop3A_487 = arith.constant 896 : i32
      %parallel_loop3A_488 = arith.addi %parallel_loop3A_140, %parallel_loop3A_487 : i32
      %parallel_loop3A_489 = arith.index_cast %parallel_loop3A_488 : i32 to index
      %parallel_loop3A_490 = tpu.vector_load %arg6[%parallel_loop3A_489] {strides = array<i32>} : memref<15360xf32, #tpu.memory_space<vmem>>, vector<16xf32>,
      %parallel_loop3A_491 = arith.subf %parallel_loop3A_486, %parallel_loop3A_490 : vector<16xf32>
      %parallel_loop3A_492 = arith.mulf %parallel_loop3A_491, %parallel_loop3A_491 : vector<16xf32>
      %parallel_loop3A_493 = arith.addf %parallel_loop3A_482, %parallel_loop3A_492 : vector<16xf32>
      %parallel_loop3A_494 = arith.constant 960 : i32
      %parallel_loop3A_495 = arith.addi %parallel_loop3A_140, %parallel_loop3A_494 : i32
      %parallel_loop3A_496 = arith.index_cast %parallel_loop3A_495 : i32 to index
      %parallel_loop3A_497 = tpu.vector_load %arg5[%parallel_loop3A_496] {strides = array<i32>} : memref<15360xf32, #tpu.memory_space<vmem>>, vector<16xf32>,
      %parallel_loop3A_498 = arith.constant 960 : i32
      %parallel_loop3A_499 = arith.addi %parallel_loop3A_140, %parallel_loop3A_498 : i32
      %parallel_loop3A_500 = arith.index_cast %parallel_loop3A_499 : i32 to index
      %parallel_loop3A_501 = tpu.vector_load %arg6[%parallel_loop3A_500] {strides = array<i32>} : memref<15360xf32, #tpu.memory_space<vmem>>, vector<16xf32>,
      %parallel_loop3A_502 = arith.subf %parallel_loop3A_497, %parallel_loop3A_501 : vector<16xf32>
      %parallel_loop3A_503 = arith.mulf %parallel_loop3A_502, %parallel_loop3A_502 : vector<16xf32>
      %parallel_loop3A_504 = arith.addf %parallel_loop3A_493, %parallel_loop3A_503 : vector<16xf32>
      %parallel_loop3A_505 = arith.constant 1024 : i32
      %parallel_loop3A_506 = arith.addi %parallel_loop3A_140, %parallel_loop3A_505 : i32
      %parallel_loop3A_507 = arith.index_cast %parallel_loop3A_506 : i32 to index
      %parallel_loop3A_508 = tpu.vector_load %arg5[%parallel_loop3A_507] {strides = array<i32>} : memref<15360xf32, #tpu.memory_space<vmem>>, vector<16xf32>,
      %parallel_loop3A_509 = arith.constant 1024 : i32
      %parallel_loop3A_510 = arith.addi %parallel_loop3A_140, %parallel_loop3A_509 : i32
      %parallel_loop3A_511 = arith.index_cast %parallel_loop3A_510 : i32 to index
      %parallel_loop3A_512 = tpu.vector_load %arg6[%parallel_loop3A_511] {strides = array<i32>} : memref<15360xf32, #tpu.memory_space<vmem>>, vector<16xf32>,
      %parallel_loop3A_513 = arith.subf %parallel_loop3A_508, %parallel_loop3A_512 : vector<16xf32>
      %parallel_loop3A_514 = arith.mulf %parallel_loop3A_513, %parallel_loop3A_513 : vector<16xf32>
      %parallel_loop3A_515 = arith.addf %parallel_loop3A_504, %parallel_loop3A_514 : vector<16xf32>
      %parallel_loop3A_516 = arith.constant 1088 : i32
      %parallel_loop3A_517 = arith.addi %parallel_loop3A_140, %parallel_loop3A_516 : i32
      %parallel_loop3A_518 = arith.index_cast %parallel_loop3A_517 : i32 to index
      %parallel_loop3A_519 = tpu.vector_load %arg5[%parallel_loop3A_518] {strides = array<i32>} : memref<15360xf32, #tpu.memory_space<vmem>>, vector<16xf32>,
      %parallel_loop3A_520 = arith.constant 1088 : i32
      %parallel_loop3A_521 = arith.addi %parallel_loop3A_140, %parallel_loop3A_520 : i32
      %parallel_loop3A_522 = arith.index_cast %parallel_loop3A_521 : i32 to index
      %parallel_loop3A_523 = tpu.vector_load %arg6[%parallel_loop3A_522] {strides = array<i32>} : memref<15360xf32, #tpu.memory_space<vmem>>, vector<16xf32>,
      %parallel_loop3A_524 = arith.subf %parallel_loop3A_519, %parallel_loop3A_523 : vector<16xf32>
      %parallel_loop3A_525 = arith.mulf %parallel_loop3A_524, %parallel_loop3A_524 : vector<16xf32>
      %parallel_loop3A_526 = arith.addf %parallel_loop3A_515, %parallel_loop3A_525 : vector<16xf32>
      %parallel_loop3A_527 = arith.constant 1152 : i32
      %parallel_loop3A_528 = arith.addi %parallel_loop3A_140, %parallel_loop3A_527 : i32
      %parallel_loop3A_529 = arith.index_cast %parallel_loop3A_528 : i32 to index
      %parallel_loop3A_530 = tpu.vector_load %arg5[%parallel_loop3A_529] {strides = array<i32>} : memref<15360xf32, #tpu.memory_space<vmem>>, vector<16xf32>,
      %parallel_loop3A_531 = arith.constant 1152 : i32
      %parallel_loop3A_532 = arith.addi %parallel_loop3A_140, %parallel_loop3A_531 : i32
      %parallel_loop3A_533 = arith.index_cast %parallel_loop3A_532 : i32 to index
      %parallel_loop3A_534 = tpu.vector_load %arg6[%parallel_loop3A_533] {strides = array<i32>} : memref<15360xf32, #tpu.memory_space<vmem>>, vector<16xf32>,
      %parallel_loop3A_535 = arith.subf %parallel_loop3A_530, %parallel_loop3A_534 : vector<16xf32>
      %parallel_loop3A_536 = arith.mulf %parallel_loop3A_535, %parallel_loop3A_535 : vector<16xf32>
      %parallel_loop3A_537 = arith.addf %parallel_loop3A_526, %parallel_loop3A_536 : vector<16xf32>
      %parallel_loop3A_538 = arith.constant 1216 : i32
      %parallel_loop3A_539 = arith.addi %parallel_loop3A_140, %parallel_loop3A_538 : i32
      %parallel_loop3A_540 = arith.index_cast %parallel_loop3A_539 : i32 to index
      %parallel_loop3A_541 = tpu.vector_load %arg5[%parallel_loop3A_540] {strides = array<i32>} : memref<15360xf32, #tpu.memory_space<vmem>>, vector<16xf32>,
      %parallel_loop3A_542 = arith.constant 1216 : i32
      %parallel_loop3A_543 = arith.addi %parallel_loop3A_140, %parallel_loop3A_542 : i32
      %parallel_loop3A_544 = arith.index_cast %parallel_loop3A_543 : i32 to index
      %parallel_loop3A_545 = tpu.vector_load %arg6[%parallel_loop3A_544] {strides = array<i32>} : memref<15360xf32, #tpu.memory_space<vmem>>, vector<16xf32>,
      %parallel_loop3A_546 = arith.subf %parallel_loop3A_541, %parallel_loop3A_545 : vector<16xf32>
      %parallel_loop3A_547 = arith.mulf %parallel_loop3A_546, %parallel_loop3A_546 : vector<16xf32>
      %parallel_loop3A_548 = arith.addf %parallel_loop3A_537, %parallel_loop3A_547 : vector<16xf32>
      %parallel_loop3A_549 = arith.constant 1280 : i32
      %parallel_loop3A_550 = arith.addi %parallel_loop3A_140, %parallel_loop3A_549 : i32
      %parallel_loop3A_551 = arith.index_cast %parallel_loop3A_550 : i32 to index
      %parallel_loop3A_552 = tpu.vector_load %arg5[%parallel_loop3A_551] {strides = array<i32>} : memref<15360xf32, #tpu.memory_space<vmem>>, vector<16xf32>,
      %parallel_loop3A_553 = arith.constant 1280 : i32
      %parallel_loop3A_554 = arith.addi %parallel_loop3A_140, %parallel_loop3A_553 : i32
      %parallel_loop3A_555 = arith.index_cast %parallel_loop3A_554 : i32 to index
      %parallel_loop3A_556 = tpu.vector_load %arg6[%parallel_loop3A_555] {strides = array<i32>} : memref<15360xf32, #tpu.memory_space<vmem>>, vector<16xf32>,
      %parallel_loop3A_557 = arith.subf %parallel_loop3A_552, %parallel_loop3A_556 : vector<16xf32>
      %parallel_loop3A_558 = arith.mulf %parallel_loop3A_557, %parallel_loop3A_557 : vector<16xf32>
      %parallel_loop3A_559 = arith.addf %parallel_loop3A_548, %parallel_loop3A_558 : vector<16xf32>
      %parallel_loop3A_560 = arith.constant 1344 : i32
      %parallel_loop3A_561 = arith.addi %parallel_loop3A_140, %parallel_loop3A_560 : i32
      %parallel_loop3A_562 = arith.index_cast %parallel_loop3A_561 : i32 to index
      %parallel_loop3A_563 = tpu.vector_load %arg5[%parallel_loop3A_562] {strides = array<i32>} : memref<15360xf32, #tpu.memory_space<vmem>>, vector<16xf32>,
      %parallel_loop3A_564 = arith.constant 1344 : i32
      %parallel_loop3A_565 = arith.addi %parallel_loop3A_140, %parallel_loop3A_564 : i32
      %parallel_loop3A_566 = arith.index_cast %parallel_loop3A_565 : i32 to index
      %parallel_loop3A_567 = tpu.vector_load %arg6[%parallel_loop3A_566] {strides = array<i32>} : memref<15360xf32, #tpu.memory_space<vmem>>, vector<16xf32>,
      %parallel_loop3A_568 = arith.subf %parallel_loop3A_563, %parallel_loop3A_567 : vector<16xf32>
      %parallel_loop3A_569 = arith.mulf %parallel_loop3A_568, %parallel_loop3A_568 : vector<16xf32>
      %parallel_loop3A_570 = arith.addf %parallel_loop3A_559, %parallel_loop3A_569 : vector<16xf32>
      %parallel_loop3A_571 = arith.constant 1408 : i32
      %parallel_loop3A_572 = arith.addi %parallel_loop3A_140, %parallel_loop3A_571 : i32
      %parallel_loop3A_573 = arith.index_cast %parallel_loop3A_572 : i32 to index
      %parallel_loop3A_574 = tpu.vector_load %arg5[%parallel_loop3A_573] {strides = array<i32>} : memref<15360xf32, #tpu.memory_space<vmem>>, vector<16xf32>,
      %parallel_loop3A_575 = arith.constant 1408 : i32
      %parallel_loop3A_576 = arith.addi %parallel_loop3A_140, %parallel_loop3A_575 : i32
      %parallel_loop3A_577 = arith.index_cast %parallel_loop3A_576 : i32 to index
      %parallel_loop3A_578 = tpu.vector_load %arg6[%parallel_loop3A_577] {strides = array<i32>} : memref<15360xf32, #tpu.memory_space<vmem>>, vector<16xf32>,
      %parallel_loop3A_579 = arith.subf %parallel_loop3A_574, %parallel_loop3A_578 : vector<16xf32>
      %parallel_loop3A_580 = arith.mulf %parallel_loop3A_579, %parallel_loop3A_579 : vector<16xf32>
      %parallel_loop3A_581 = arith.addf %parallel_loop3A_570, %parallel_loop3A_580 : vector<16xf32>
      %parallel_loop3A_582 = arith.constant 1472 : i32
      %parallel_loop3A_583 = arith.addi %parallel_loop3A_140, %parallel_loop3A_582 : i32
      %parallel_loop3A_584 = arith.index_cast %parallel_loop3A_583 : i32 to index
      %parallel_loop3A_585 = tpu.vector_load %arg5[%parallel_loop3A_584] {strides = array<i32>} : memref<15360xf32, #tpu.memory_space<vmem>>, vector<16xf32>,
      %parallel_loop3A_586 = arith.constant 1472 : i32
      %parallel_loop3A_587 = arith.addi %parallel_loop3A_140, %parallel_loop3A_586 : i32
      %parallel_loop3A_588 = arith.index_cast %parallel_loop3A_587 : i32 to index
      %parallel_loop3A_589 = tpu.vector_load %arg6[%parallel_loop3A_588] {strides = array<i32>} : memref<15360xf32, #tpu.memory_space<vmem>>, vector<16xf32>,
      %parallel_loop3A_590 = arith.subf %parallel_loop3A_585, %parallel_loop3A_589 : vector<16xf32>
      %parallel_loop3A_591 = arith.mulf %parallel_loop3A_590, %parallel_loop3A_590 : vector<16xf32>
      %parallel_loop3A_592 = arith.addf %parallel_loop3A_581, %parallel_loop3A_591 : vector<16xf32>
      %parallel_loop3A_593 = arith.constant 1536 : i32
      %parallel_loop3A_594 = arith.addi %parallel_loop3A_140, %parallel_loop3A_593 : i32
      %parallel_loop3A_595 = arith.index_cast %parallel_loop3A_594 : i32 to index
      %parallel_loop3A_596 = tpu.vector_load %arg5[%parallel_loop3A_595] {strides = array<i32>} : memref<15360xf32, #tpu.memory_space<vmem>>, vector<16xf32>,
      %parallel_loop3A_597 = arith.constant 1536 : i32
      %parallel_loop3A_598 = arith.addi %parallel_loop3A_140, %parallel_loop3A_597 : i32
      %parallel_loop3A_599 = arith.index_cast %parallel_loop3A_598 : i32 to index
      %parallel_loop3A_600 = tpu.vector_load %arg6[%parallel_loop3A_599] {strides = array<i32>} : memref<15360xf32, #tpu.memory_space<vmem>>, vector<16xf32>,
      %parallel_loop3A_601 = arith.subf %parallel_loop3A_596, %parallel_loop3A_600 : vector<16xf32>
      %parallel_loop3A_602 = arith.mulf %parallel_loop3A_601, %parallel_loop3A_601 : vector<16xf32>
      %parallel_loop3A_603 = arith.addf %parallel_loop3A_592, %parallel_loop3A_602 : vector<16xf32>
      %parallel_loop3A_604 = arith.constant 1600 : i32
      %parallel_loop3A_605 = arith.addi %parallel_loop3A_140, %parallel_loop3A_604 : i32
      %parallel_loop3A_606 = arith.index_cast %parallel_loop3A_605 : i32 to index
      %parallel_loop3A_607 = tpu.vector_load %arg5[%parallel_loop3A_606] {strides = array<i32>} : memref<15360xf32, #tpu.memory_space<vmem>>, vector<16xf32>,
      %parallel_loop3A_608 = arith.constant 1600 : i32
      %parallel_loop3A_609 = arith.addi %parallel_loop3A_140, %parallel_loop3A_608 : i32
      %parallel_loop3A_610 = arith.index_cast %parallel_loop3A_609 : i32 to index
      %parallel_loop3A_611 = tpu.vector_load %arg6[%parallel_loop3A_610] {strides = array<i32>} : memref<15360xf32, #tpu.memory_space<vmem>>, vector<16xf32>,
      %parallel_loop3A_612 = arith.subf %parallel_loop3A_607, %parallel_loop3A_611 : vector<16xf32>
      %parallel_loop3A_613 = arith.mulf %parallel_loop3A_612, %parallel_loop3A_612 : vector<16xf32>
      %parallel_loop3A_614 = arith.addf %parallel_loop3A_603, %parallel_loop3A_613 : vector<16xf32>
      %parallel_loop3A_615 = arith.constant 1664 : i32
      %parallel_loop3A_616 = arith.addi %parallel_loop3A_140, %parallel_loop3A_615 : i32
      %parallel_loop3A_617 = arith.index_cast %parallel_loop3A_616 : i32 to index
      %parallel_loop3A_618 = tpu.vector_load %arg5[%parallel_loop3A_617] {strides = array<i32>} : memref<15360xf32, #tpu.memory_space<vmem>>, vector<16xf32>,
      %parallel_loop3A_619 = arith.constant 1664 : i32
      %parallel_loop3A_620 = arith.addi %parallel_loop3A_140, %parallel_loop3A_619 : i32
      %parallel_loop3A_621 = arith.index_cast %parallel_loop3A_620 : i32 to index
      %parallel_loop3A_622 = tpu.vector_load %arg6[%parallel_loop3A_621] {strides = array<i32>} : memref<15360xf32, #tpu.memory_space<vmem>>, vector<16xf32>,
      %parallel_loop3A_623 = arith.subf %parallel_loop3A_618, %parallel_loop3A_622 : vector<16xf32>
      %parallel_loop3A_624 = arith.mulf %parallel_loop3A_623, %parallel_loop3A_623 : vector<16xf32>
      %parallel_loop3A_625 = arith.addf %parallel_loop3A_614, %parallel_loop3A_624 : vector<16xf32>
      %parallel_loop3A_626 = arith.constant 1728 : i32
      %parallel_loop3A_627 = arith.addi %parallel_loop3A_140, %parallel_loop3A_626 : i32
      %parallel_loop3A_628 = arith.index_cast %parallel_loop3A_627 : i32 to index
      %parallel_loop3A_629 = tpu.vector_load %arg5[%parallel_loop3A_628] {strides = array<i32>} : memref<15360xf32, #tpu.memory_space<vmem>>, vector<16xf32>,
      %parallel_loop3A_630 = arith.constant 1728 : i32
      %parallel_loop3A_631 = arith.addi %parallel_loop3A_140, %parallel_loop3A_630 : i32
      %parallel_loop3A_632 = arith.index_cast %parallel_loop3A_631 : i32 to index
      %parallel_loop3A_633 = tpu.vector_load %arg6[%parallel_loop3A_632] {strides = array<i32>} : memref<15360xf32, #tpu.memory_space<vmem>>, vector<16xf32>,
      %parallel_loop3A_634 = arith.subf %parallel_loop3A_629, %parallel_loop3A_633 : vector<16xf32>
      %parallel_loop3A_635 = arith.mulf %parallel_loop3A_634, %parallel_loop3A_634 : vector<16xf32>
      %parallel_loop3A_636 = arith.addf %parallel_loop3A_625, %parallel_loop3A_635 : vector<16xf32>
      %parallel_loop3A_637 = arith.constant 1792 : i32
      %parallel_loop3A_638 = arith.addi %parallel_loop3A_140, %parallel_loop3A_637 : i32
      %parallel_loop3A_639 = arith.index_cast %parallel_loop3A_638 : i32 to index
      %parallel_loop3A_640 = tpu.vector_load %arg5[%parallel_loop3A_639] {strides = array<i32>} : memref<15360xf32, #tpu.memory_space<vmem>>, vector<16xf32>,
      %parallel_loop3A_641 = arith.constant 1792 : i32
      %parallel_loop3A_642 = arith.addi %parallel_loop3A_140, %parallel_loop3A_641 : i32
      %parallel_loop3A_643 = arith.index_cast %parallel_loop3A_642 : i32 to index
      %parallel_loop3A_644 = tpu.vector_load %arg6[%parallel_loop3A_643] {strides = array<i32>} : memref<15360xf32, #tpu.memory_space<vmem>>, vector<16xf32>,
      %parallel_loop3A_645 = arith.subf %parallel_loop3A_640, %parallel_loop3A_644 : vector<16xf32>
      %parallel_loop3A_646 = arith.mulf %parallel_loop3A_645, %parallel_loop3A_645 : vector<16xf32>
      %parallel_loop3A_647 = arith.addf %parallel_loop3A_636, %parallel_loop3A_646 : vector<16xf32>
      %parallel_loop3A_648 = arith.constant 1856 : i32
      %parallel_loop3A_649 = arith.addi %parallel_loop3A_140, %parallel_loop3A_648 : i32
      %parallel_loop3A_650 = arith.index_cast %parallel_loop3A_649 : i32 to index
      %parallel_loop3A_651 = tpu.vector_load %arg5[%parallel_loop3A_650] {strides = array<i32>} : memref<15360xf32, #tpu.memory_space<vmem>>, vector<16xf32>,
      %parallel_loop3A_652 = arith.constant 1856 : i32
      %parallel_loop3A_653 = arith.addi %parallel_loop3A_140, %parallel_loop3A_652 : i32
      %parallel_loop3A_654 = arith.index_cast %parallel_loop3A_653 : i32 to index
      %parallel_loop3A_655 = tpu.vector_load %arg6[%parallel_loop3A_654] {strides = array<i32>} : memref<15360xf32, #tpu.memory_space<vmem>>, vector<16xf32>,
      %parallel_loop3A_656 = arith.subf %parallel_loop3A_651, %parallel_loop3A_655 : vector<16xf32>
      %parallel_loop3A_657 = arith.mulf %parallel_loop3A_656, %parallel_loop3A_656 : vector<16xf32>
      %parallel_loop3A_658 = arith.addf %parallel_loop3A_647, %parallel_loop3A_657 : vector<16xf32>
      %parallel_loop3A_659 = arith.constant 5.000000e+00 : f32
      %parallel_loop3A_660 = vector.broadcast %parallel_loop3A_659 : f32 to vector<16xf32>
      %parallel_loop3A_661 = arith.mulf %parallel_loop3A_660, %parallel_loop3A_435 : vector<16xf32>
      %parallel_loop3A_662 = arith.mulf %parallel_loop3A_436, %parallel_loop3A_436 : vector<16xf32>
      %parallel_loop3A_663 = arith.constant 2.000000e+00 : f32
      %parallel_loop3A_664 = vector.broadcast %parallel_loop3A_663 : f32 to vector<16xf32>
      %parallel_loop3A_665 = arith.mulf %parallel_loop3A_664, %parallel_loop3A_662 : vector<16xf32>
      %parallel_loop3A_666 = arith.addf %parallel_loop3A_661, %parallel_loop3A_665 : vector<16xf32>
      %parallel_loop3A_667 = arith.mulf %parallel_loop3A_364, %parallel_loop3A_364 : vector<16xf32>
      %parallel_loop3A_668 = arith.addf %parallel_loop3A_666, %parallel_loop3A_667 : vector<16xf32>
      %parallel_loop3A_669 = arith.addf %parallel_loop3A_668, %parallel_loop3A_658 : vector<16xf32>
      %parallel_loop3A_670 = arith.constant 0.000000e+00 : f32
      %parallel_loop3A_671 = vector.broadcast %parallel_loop3A_670 : f32 to vector<16xf32>
      %parallel_loop3A_672 = arith.select %parallel_loop3A_223, %parallel_loop3A_669, %parallel_loop3A_671 : vector<16xi1>, vector<16xf32>
      %parallel_loop3A_673 = arith.constant 0.000000e+00 : f32
      %parallel_loop3A_674 = vector.broadcast %parallel_loop3A_673 : f32 to vector<16xf32>
      %parallel_loop3A_675 = arith.select %parallel_loop3A_226, %parallel_loop3A_231, %parallel_loop3A_674 : vector<16xi1>, vector<16xf32>
      %parallel_loop3A_676 = arith.constant 5.000000e-01 : f32
      %parallel_loop3A_677 = vector.broadcast %parallel_loop3A_676 : f32 to vector<16xf32>
      %parallel_loop3A_678 = arith.mulf %parallel_loop3A_677, %parallel_loop3A_675 : vector<16xf32>
      %parallel_loop3A_679 = arith.addf %parallel_loop3A_672, %parallel_loop3A_678 : vector<16xf32>
      %parallel_loop3A_680 = arith.addf %parallel_loop3A_93, %parallel_loop3A_679 : vector<16xf32>
      scf.yield %parallel_loop3A_680 : vector<16xf32>
    } {sc.loop_unroll_factor = 1 : i64, sc.parallel_access}
    %mul3A_88 = arith.constant 1.562500e-02 : f32
    %mul3A_89 = vector.broadcast %mul3A_88 : f32 to vector<16xf32>
    %mul3A_90 = arith.mulf %parallel_loop3A_87, %mul3A_89 : vector<16xf32>
    %swap3A = arith.constant 0 : index
    %swap3A_91 = tpu.vector_load %arg7[%swap3A] {strides = array<i32>} : memref<16xf32, #tpu.memory_space<vmem>>, vector<16xf32>,
    tpu.vector_store %arg7[%swap3A], %mul3A_90 {strides = array<i32>} : memref<16xf32, #tpu.memory_space<vmem>>, vector<16xf32>,
    "tpu.region"() ({
      %run_scoped3A = tpu.sem_alloc : memref<!tpu.dma_semaphore, #tpu.memory_space<semaphore_mem>>
      %dma_start3A_92 = arith.constant 0 : i32
      %dma_start3A_93 = tpu.memref_slice %arg4[%add3A, %dma_start3A_92] : memref<32x16xf32, #tpu.memory_space<hbm>> -> memref<1x16xf32, #tpu.memory_space<hbm>>
      %dma_start3A_94 = tpu.memref_squeeze %dma_start3A_93 : memref<1x16xf32, #tpu.memory_space<hbm>> -> memref<16xf32, #tpu.memory_space<hbm>>
      %dma_start3A_95 = arith.constant 0 : i32
      %dma_start3A_96 = tpu.memref_slice %arg4[%add3A, %dma_start3A_95] : memref<32x16xf32, #tpu.memory_space<hbm>> -> memref<1x16xf32, #tpu.memory_space<hbm>>
      %dma_start3A_97 = tpu.memref_squeeze %dma_start3A_96 : memref<1x16xf32, #tpu.memory_space<hbm>> -> memref<16xf32, #tpu.memory_space<hbm>>
      tpu.enqueue_dma source(%arg7 : memref<16xf32, #tpu.memory_space<vmem>>) target(%dma_start3A_97 : memref<16xf32, #tpu.memory_space<hbm>>) target_semaphore(%run_scoped3A : memref<!tpu.dma_semaphore, #tpu.memory_space<semaphore_mem>>)
      %dma_wait3A_98 = arith.constant 0 : i32
      %dma_wait3A_99 = tpu.memref_slice %arg4[%add3A, %dma_wait3A_98] : memref<32x16xf32, #tpu.memory_space<hbm>> -> memref<1x16xf32, #tpu.memory_space<hbm>>
      %dma_wait3A_100 = tpu.memref_squeeze %dma_wait3A_99 : memref<1x16xf32, #tpu.memory_space<hbm>> -> memref<16xf32, #tpu.memory_space<hbm>>
      %dma_wait3A_101 = arith.constant 0 : i32
      %dma_wait3A_102 = tpu.memref_slice %arg4[%add3A, %dma_wait3A_101] : memref<32x16xf32, #tpu.memory_space<hbm>> -> memref<1x16xf32, #tpu.memory_space<hbm>>
      %dma_wait3A_103 = tpu.memref_squeeze %dma_wait3A_102 : memref<1x16xf32, #tpu.memory_space<hbm>> -> memref<16xf32, #tpu.memory_space<hbm>>
      tpu.wait_dma2 semaphore(%run_scoped3A : memref<!tpu.dma_semaphore, #tpu.memory_space<semaphore_mem>>) src(%arg7 : memref<16xf32, #tpu.memory_space<vmem>>) dst(%dma_wait3A_103 : memref<16xf32, #tpu.memory_space<hbm>>)
      tpu.yield
    }) : () -> ()
    return
  }
}

</mosaic_0001>

<sc_bundles>
// kernel: kernel.3.cloned.1.call-start
scs
__scs_entry_jumppad:
0x0: {  	(pc) =	sbr.rel $0x88, $3  }
0x1: {  	(tag) =	ssettag $0x0;
	lr =	simm.s32 $0x1  }
0x2: {  	[smem:$0x3F9F] =	sst lr;
	_ =	strace $0xD0000000  }
0x3: {  	_ = 	snop  }
0x4: {  	_ = 	snop  }
0x5: {  	_ = 	snop  }
0x6: {  	_ = 	snop  }
0x7: {  	_ = 	snop  }
__scs_overlays_trampoline_lowered:
0x8: {  	[smem:$0x3FAE] =	sst s0  }
0x9: {  	[smem:$0x3FAF] =	sst s1  }
0xa: {  	[smem:$0x3FB0] =	sst s2  }
0xb: {  	[smem:$0x3FB1] =	sst s3  }
0xc: {  	[smem:$0x3FB2] =	sst s4  }
0xd: {  	[smem:$0x3FB3] =	sst s5  }
0xe: {  	[smem:$0x3FB4] =	sst s6  }
0xf: {  	[smem:$0x3FB5] =	sst s7  }
0x10: {  	[smem:$0x3FB6] =	sst s8  }
0x11: {  	[smem:$0x3FB7] =	sst s9;
	s0 =	simm.s32 @!p0 $0x0  }
0x12: {  	s1 =	sld [smem:$0x3F9D];
	s0 =	simm.s32 @p0 $0x1  }
0x13: {  	[smem:$0x3FB8] =	sst s0;
	s0 =	simm.s32 @!p1 $0x0  }
0x14: {  	s2 =	sld [smem:$0x3F9C];
	s0 =	simm.s32 @p1 $0x1  }
0x15: {  	[smem:$0x3FB9] =	sst s0;
	s0 =	simm.s32 @!p2 $0x0  }
0x16: {  	s3 =	sld [smem:$0x3FDB];
	s0 =	simm.s32 @p2 $0x1  }
0x17: {  	s4 =	simm.s32 $0x1BF5;
	[smem:$0x3FBB] =	sst s0  }
0x18: {  	s0 =	sld [smem:$0x3F9E];
	_ =	swait.ge [sflag:s4], $0x0  }
0x19: {  	s7 =	sld [smem:$0x3F9F]  }
0x1a: {  	s8 =	sadd.s32 $0xFFFFE003, lr  }
0x1b: {  	s9 =	sadd.s32 $0xFFFFFEF7, lr;
	s5 =	simm.s32 $0xFFFFFFFF;
	p2 =	slt.u32 s8, $0xFFFFF086  }
0x1c: {  	p1 =	slt.u32 s9, $0xF7A;
	s5 =	simm.s32 @!p2 $0x0  }
0x1d: {  	s5 =	simm.s32 @p1 $0x1;
	p0 =	seq.s32 s7, s2  }
0x1e: {  	s7 =	smul.u32 @!p0 $0xF7A, s2;
	p2 =	seq.s32 @!p0 s5, $0x0  }
0x1f: {  	s9 =	smul.u32 $0xF7A, s1;
	s8 =	simm.s32 @!p0 $0x1BF5;
	p2 =	por !p2, p0  }
0x20: {  	[sflag:s8] =	ssyncset.s32 @!p0 $0xFFFFF086;
	s6 =	sadd.s32 @!p0 s3, s7;
	s7 =	simm.s32 @!p0 $0x108  }
0x21: {  	s3 =	sadd.s32 s3, s9;
	s6 =	sadd.s32 @!p0 $0x88, s6;
	s7 =	simm.s32 @p2 $0x1082  }
0x22: {  	[simem:s7], [sflag:s8] =	dma.local @!p0 [hbm:s6], $0xF7A  }
0x23: {  	s9 =	sor.u32 $0xD0000000, s2;
	s6 =	simm.s32 $0x108;
	_ =	swait.ge @!p0 [sflag:s8], $0x0  }
0x24: {  	s3 =	sadd.s32 $0x88, s3;
	s6 =	simm.s32 @!p1 $0x1082;
	[sflag:s4] =	ssyncset.s32 $0xFFFFF086  }
0x25: {  	[simem:s6], [sflag:s4] =	dma.local [hbm:s3], $0xF7A  }
0x26: {  	[smem:$0x3F9F] =	sst s1;
	(tag) =	ssettag s2;
	_ =	strace s9  }
0x27: {  	s1 =	sld [smem:$0x3FAF]  }
0x28: {  	s2 =	sld [smem:$0x3FB0]  }
0x29: {  	s4 =	sld [smem:$0x3FB2]  }
0x2a: {  	p0 =	seq.s32 s5, $0x0;
	s5 =	sld [smem:$0x3FB3]  }
0x2b: {  	s6 =	sld [smem:$0x3FB4]  }
0x2c: {  	s7 =	sld [smem:$0x3FB5]  }
0x2d: {  	s3 =	simm.s32 $0x108;
	s8 =	sld [smem:$0x3FB6]  }
0x2e: {  	s3 =	simm.s32 @!p0 $0x1082;
	s9 =	sld [smem:$0x3FB7]  }
0x2f: {  	lr =	sadd.s32 s0, s3;
	s0 =	sld [smem:$0x3FAE]  }
0x30: {  	s3 =	sld [smem:$0x3FB1]  }
0x31: {  	[smem:$0x3FBA] =	sst s10  }
0x32: {  	s10 =	sld [smem:$0x3FB8];
	_ =	sdelay $0x3  }
0x33: {  	p0 =	seq.s32 s10, $0x1;
	s10 =	sld [smem:$0x3FBA];
	_ =	sdelay $0x3  }
0x34: {  	[smem:$0x3FBA] =	sst s10  }
0x35: {  	s10 =	sld [smem:$0x3FB9];
	_ =	sdelay $0x3  }
0x36: {  	p1 =	seq.s32 s10, $0x1;
	s10 =	sld [smem:$0x3FBA];
	_ =	sdelay $0x3  }
0x37: {  	[smem:$0x3FBA] =	sst s10  }
0x38: {  	s10 =	sld [smem:$0x3FBB]  }
0x39: {  	_ = 	snop;
	(pc) =	sbr.ind lr, $3  }
0x3a: {  	_ = 	snop  }
0x3b: {  	_ = 	snop  }
0x3c: {  	p2 =	seq.s32 s10, $0x1;
	s10 =	sld [smem:$0x3FBA]  }
0x3d: {  	_ =	shalt  }
0x3e: {  	_ =	shalt  }
0x3f: {  	_ =	shalt  }
0x40: {  	_ =	shalt  }
0x41: {  	_ =	shalt  }
0x42: {  	_ =	shalt  }
0x43: {  	_ =	shalt  }
0x44: {  	_ =	shalt  }
0x45: {  	_ =	shalt  }
0x46: {  	_ =	shalt  }
0x47: {  	_ =	shalt  }
0x48: {  	_ =	shalt  }
0x49: {  	_ =	shalt  }
0x4a: {  	_ =	shalt  }
0x4b: {  	_ =	shalt  }
0x4c: {  	_ =	shalt  }
0x4d: {  	_ =	shalt  }
0x4e: {  	_ =	shalt  }
0x4f: {  	_ =	shalt  }
0x50: {  	_ =	shalt  }
0x51: {  	_ =	shalt  }
0x52: {  	_ =	shalt  }
0x53: {  	_ =	shalt  }
0x54: {  	_ =	shalt  }
0x55: {  	_ =	shalt  }
0x56: {  	_ =	shalt  }
0x57: {  	_ =	shalt  }
0x58: {  	_ =	shalt  }
0x59: {  	_ =	shalt  }
0x5a: {  	_ =	shalt  }
0x5b: {  	_ =	shalt  }
0x5c: {  	_ =	shalt  }
0x5d: {  	_ =	shalt  }
0x5e: {  	_ =	shalt  }
0x5f: {  	_ =	shalt  }
0x60: {  	_ =	shalt  }
0x61: {  	_ =	shalt  }
0x62: {  	_ =	shalt  }
0x63: {  	_ =	shalt  }
0x64: {  	_ =	shalt  }
0x65: {  	_ =	shalt  }
0x66: {  	_ =	shalt  }
0x67: {  	_ =	shalt  }
0x68: {  	_ =	shalt  }
0x69: {  	_ =	shalt  }
0x6a: {  	_ =	shalt  }
0x6b: {  	_ =	shalt  }
0x6c: {  	_ =	shalt  }
0x6d: {  	_ =	shalt  }
0x6e: {  	_ =	shalt  }
0x6f: {  	_ =	shalt  }
0x70: {  	_ =	shalt  }
0x71: {  	_ =	shalt  }
0x72: {  	_ =	shalt  }
0x73: {  	_ =	shalt  }
0x74: {  	_ =	shalt  }
0x75: {  	_ =	shalt  }
0x76: {  	_ =	shalt  }
0x77: {  	_ =	shalt  }
0x78: {  	_ =	shalt  }
0x79: {  	_ =	shalt  }
0x7a: {  	_ =	shalt  }
0x7b: {  	_ =	shalt  }
0x7c: {  	_ =	shalt  }
0x7d: {  	_ =	shalt  }
0x7e: {  	_ =	shalt  }
0x7f: {  	_ =	shalt  }
0x80: {  	_ =	shalt  }
0x81: {  	_ =	shalt  }
0x82: {  	_ =	shalt  }
0x83: {  	_ =	shalt  }
0x84: {  	_ =	shalt  }
0x85: {  	_ =	shalt  }
0x86: {  	_ =	shalt  }
0x87: {  	_ =	shalt  }
.Lfunc_end0:
.L_simem_size_0:
called_computation_lowered:
.L_overlay_start_0:
0x88: {  	s2 =	sld [smem:$0x3FD9]  }
0x89: {  	s3 =	sld [smem:$0x3FFE];
	_ =	sdelay $0x1  }
0x8a: {  	s1 =	srdreg.scid  }
0x8b: {  	s0 =	sand.u32 $0x1, s1  }
0x8c: {  	s16 =	sshll.u32 s0, $0xA;
	s2 =	sadd.s32 s3, s2  }
0x8d: {  	s2 =	sadd.s32 s2, s16  }
0x8e: {  	[smem:$0x3FC6] =	sst s2  }
0x8f: {  	_ = 	snop  }
0x90: {  	(tm) =	ssettm $0x1  }
0x91: {  	s17 =	sld [smem:$0x3FFB];
	_ =	sdelay $0x3  }
0x92: {  	_ =	strace s17  }
0x93: {  	s2 =	sld [smem:$0x3FFC];
	_ =	sdelay $0x3  }
0x94: {  	_ =	strace s2  }
0x95: {  	s2 =	sld [smem:$0x3FFD];
	_ =	sdelay $0x3  }
0x96: {  	_ =	strace s2  }
0x97: {  	_ =	strace $0x8FFFFFFF  }
0x98: {  	s18 =	sld [smem:$0x3FDB];
	_ =	sdelay $0x1  }
0x99: {  	s19 =	simm.s32 $_scs_section_size  }
0x9a: {  	s4 =	simm.s32 $_size__tile_overlayer_lowered;
	s5 =	simm.s32 $_tile_overlayer_lowered  }
0x9b: {  	s22 =	simm.s32 $0x1BFF;
	s21 =	sshll.u32 s5, $0x1;
	s2 =	sadd.s32 s19, s18  }
0x9c: {  	s6 =	simm.s32 $0x0;
	s20 =	sshll.u32 s4, $0x1;
	s4 =	sadd.s32 s21, s2  }
0x9d: {  	[timem:s6], [sflag:s22] =	dma.local [hbm:s4], s20  }
0x9e: {  	_ =	swait.ge [sflag:s22], s20  }
0x9f: {  	s3 =	ssub.s32 $0x0, s20;
	[sflag:s22] =	ssyncset.done $0x0  }
0xa0: {  	[sflag:s22] =	ssyncadd.s32 s3;
	_ =	sdelay $0x1  }
0xa1: {  	s23 =	simm.s32 $0x1B8B  }
0xa2: {  	_ =	swait.ge [sflag:s23], $0x1  }
0xa3: {  	[sflag:s23] =	ssyncset.done $0x0  }
0xa4: {  	s25 =	simm.s32 $0x1B8E;
	s24 =	sld [smem:$0x3FFE];
	[sflag:s23] =	ssyncadd.s32 $0xFFFFFFFF  }
0xa5: {  	s26 =	simm.s32 $execute0_lowered;
	[smem:$0x3FD2] =	sst s25  }
0xa6: {  	s4 =	sshll.u32 s26, $0x1;
	_ =	strace $0x80000046;
	[dreg:$0x1] =	wrdreg $0xFFFFFFFF  }
0xa7: {  	s28 =	simm.s32 $_size_execute0_lowered;
	s2 =	sadd.s32 s2, s4;
	[dreg:$0x0] =	wrdreg $0x0  }
0xa8: {  	s4 =	sshll.u32 s28, $0x1;
	[dreg:$0x2] =	wrdreg s2  }
0xa9: {  	[dreg:$0x3] =	wrdreg s4  }
0xaa: {  	[dreg:$0x4] =	wrdreg $0xC0  }
0xab: {  	_ =	task [dreg:s6], $0x5FFFF  }
0xac: {  	[dreg:$0x1] =	wrdreg $0xFFFFFFFF  }
0xad: {  	[dreg:$0x0] =	wrdreg $0x60  }
0xae: {  	[dreg:$0x2] =	wrdreg s24  }
0xaf: {  	[dreg:$0x3] =	wrdreg $0x9  }
0xb0: {  	_ =	task.clear_ibuf [dreg:s6], $0x4FFFF;
	_ =	strace $0x90000046  }
0xb1: {  	s29 =	simm.s32 $0x9;
	_ =	strace $0x80000048  }
0xb2: {  	_ =	swait.ge [sflag:s29], $0x1  }
0xb3: {  	[sflag:s29] =	ssyncadd.s32 $0xFFFFFFFF  }
0xb4: {  	_ =	strace $0x90000048  }
0xb5: {  	_ =	sfence  }
0xb6: {  	s30 =	sld [smem:$0x0];
	_ =	sdelay $0x2  }
0xb7: {  	s31 =	sshll.u32 s1, $0xD;
	s1 =	sshrl.u32 s1, $0x2  }
0xb8: {  	s3 =	sand.u32 $0x4000, s31;
	s1 =	sadd.s32 s1, s30  }
0xb9: {  	s0 =	sor.u32 s3, s0;
	s1 =	sshll.u32 s1, $0x11  }
0xba: {  	s0 =	sor.u32 s1, s0  }
0xbb: {  	s0 =	sadd.s32 $0x8F2B, s0  }
0xbc: {  	[sflag:s0] =	ssyncadd.remote.s32 $0x1  }
0xbd: {  	_ =	sfence.sel $0xFFFF  }
0xbe: {  	[dreg:$0x0] =	wrdreg $0xFFFFFFFF;
	(pc) =	sbr.abs _section_cstart, $3  }
0xbf: {  	[dreg:$0x1] =	wrdreg $0xFFFFFFFF  }
0xc0: {  	_ =	task.clear_ibuf [dreg:s6], $0x2FFFF;
	_ =	strace $0x9FFFFFFF  }
0xc1: {  	(tm) =	ssettm $0x7FFFFFFF  }
tec
execute0_lowered:
.L_overlay_start_1:
0x0: {  	(tag) =	ssettag $0x1  }
0x1: {  	s1 =	srdreg.scid;
	s0 =	stileid.u32  }
0x2: {  	s5 =	sand.u32 $0x1, s1;
	s25 =	sshll.u32 s0, $0x1  }
0x3: {  	s6 =	sor.u32 s5, s25  }
0x4: {  	s7 =	smul.u32 $0x310, s6;
	_ =	sdelay $0x1  }
0x5: {  	s9 =	rddreg [dreg:$0x0];
	s26 =	sadd.s32 $0x10, s7  }
0x6: {  	s3 =	simm.s32 $0x0;
	s8 =	sshrl.u32 s26, $0x5;
	s2 =	sand.u32 $0x60, s26  }
0x7: {  	s4 =	simm.s32 $0x1;
	p0 =	seq.s32 s8, $0x0;
	p1 =	sne.s32 s2, $0x0  }
0x8: {  	s13 =	simm.s32 $0x2;
	s14 =	simm.s32 $0x7800;
	p0 =	por !p0, !p1  }
0x9: {  	s15 =	simm.s32 $0x3;
	s2 =	simm.s32 $0x1;
	p0 =	por !p0, !p0  }
0xa: {  	s16 =	simm.s32 $0x0;
	s1 =	sshrl.u32 s26, $0x7;
	s2 =	simm.s32 @!p0 $0x0  }
0xb: {  	[smem:$0x7FF] =	sst s3;
	s11 =	smul.u32 $0x620, s0;
	s2 =	ssub.s32 s1, s2  }
0xc: {  	s12 =	smul.u32 $0x310, s5;
	s5 =	ssub.s32 $0x2, s5;
	p0 =	slt.s32 s2, $0xBC  }
0xd: {  	s6 =	sshll.u32 s6, $0x4;
	s29 =	sshrl.u32 s5, $0x1;
	s2 =	simm.s32 @!p0 $0xBC  }
0xe: {  	s11 =	sadd.s32 s12, s11;
	s30 =	ssub.s32 s5, s29;
	s10 =	smul.u32 $0x780, s2  }
0xf: {  	s12 =	simm.s32 $0x3C00;
	s28 =	sadd.s32 $0x320, s7;
	s31 =	sadd.s32 $0x10, s11  }
.Ltmp0:
0x10: {  	s1 =	rddreg [dreg:$0x1];
	s10 =	sshrl.u32 s10, $0x3;
	(pc) =	sbr.rel .LBB2_1-.Ltmp0, $4  }
0x11: {  	s10 =	sadd.s32 s10, s9;
	s9 =	sadd.s32 s6, s9;
	s6 =	sshrl.u32 s28, $0x5  }
0x12: {  	_ =	strace $0x80000047;
	s5 =	ssub.s32 s6, s8;
	s6 =	sadd.s32 $0x200, s10  }
0x13: {  	s7 =	sadd.s32 $0xBA00, s10;
	s8 =	sshrl.u32 s31, $0x5;
	s9 =	sadd.s32 $0x17200, s9  }
0x14: {  	s10 =	smax.u32 s30, $0x1;
	s11 =	sshll.u32 s8, $0x4;
	p0 =	slt.s32 s5, $0x1  }
.LBB2_4:
0x15: {  	v5 =	vmul.f32 v31, v36;
	_ =	sdelay $0x1  }
0x16: {  	v32 =	vmul.f32 v32, v35;
	v5 =	vsub.f32 $1.500000000e+00, v5;
	_ =	sdelay $0x1  }
0x17: {  	v29 =	vmul.f32 v32, v29;
	v5 =	vmul.f32 v31, v5;
	_ =	sdelay $0x1  }
0x18: {  	v29 =	vmul.f32 v29, v32;
	v30 =	vmul.f32 v5, v30  }
0x19: {  	v27 =	vadd.f32 v27, v33  }
0x1a: {  	v29 =	vsub.f32 $1.500000000e+00, v29;
	v30 =	vmul.f32 v30, v5  }
0x1b: {  	v22 =	vmax.f32 v23, v22;
	v14 =	vadd.f32 v14, v28;
	v50 =	vadd.f32 v24, v27  }
0x1c: {  	v19 =	vmul.f32 v19, v19;
	v51 =	vmul.f32 v29, v32;
	v52 =	vsub.f32 $1.500000000e+00, v30  }
0x1d: {  	v10 =	vsub.f32 v10, v34;
	v12 =	vmul.f32 v12, v12;
	v23 =	vadd.f32 v25, v50  }
0x1e: {  	v13 =	vsub.f32 v13, v20;
	v17 =	vmul.f32 v51, v17;
	v5 =	vmul.f32 v52, v5  }
0x1f: {  	v7 =	vsub.f32 v11, v7;
	v10 =	vmul.f32 v10, v10;
	v19 =	vadd.f32 v19, v23  }
0x20: {  	v6 =	vsub.f32 v6, v8;
	v53 =	vadd.f32 v17, v17;
	v5 =	vmul.f32 v5, v18  }
0x21: {  	v54 =	vld [tilespmem:s17+$0x740];
	v13 =	vmul.f32 v13, v13;
	v12 =	vadd.f32 v26, v12;
	v10 =	vadd.f32 v10, v19  }
0x22: {  	v49 =	vsel vm0, v15, v21;
	v55 =	vld [tilespmem:s17+$0x4340];
	v11 =	vsub.f32 v16, v53;
	v5 =	vadd.f32 v5, v5  }
0x23: {  	v22 =	vsub.f32 v49, v22;
	v56 =	vadd.f32 v13, v10  }
0x24: {  	v7 =	vmul.f32 v7, v7;
	v57 =	vadd.f32 v11, v12;
	v5 =	vsub.f32 v14, v5  }
0x25: {  	v3 =	vsub.f32 v3, v9;
	v4 =	vmul.f32 v4, v4;
	v6 =	vmul.f32 v6, v6  }
0x26: {  	v58 =	vmul.f32 v22, v22;
	v7 =	vadd.f32 v7, v56;
	v5 =	vadd.f32 v57, v5  }
0x27: {  	v61 =	vsel vm0, v21, v15;
	v3 =	vmul.f32 v3, v3;
	v59 =	vsub.f32 v54, v55  }
0x28: {  	v60 =	vadd.f32 v58, v58;
	v6 =	vadd.f32 v6, v7;
	v5 =	vmul.f32 $5.000000000e+00, v5  }
0x29: {  	v2 =	vmul.f32 v2, v2;
	v63 =	vmul.f32 v61, v61  }
0x2a: {  	v62 =	vmul.f32 v59, v59;
	v3 =	vadd.f32 v3, v6;
	v5 =	vadd.f32 v5, v60  }
0x2b: {  	v2 =	vadd.f32 v2, v4  }
0x2c: {  	v3 =	vadd.f32 v62, v3;
	v5 =	vadd.f32 v5, v63;
	_ =	sdelay $0x1  }
0x2d: {  	v2 =	vmul.f32 $5.000000000e-01, v2;
	v3 =	vadd.f32 v3, v5  }
0x2e: {  	vm15 =	veq.f32 v1, $0.0e+00;
	vm1 =	vgt.f32 v1, $0.0e+00  }
0x2f: {  	v2 =	vnsel vm15, $0x0, v2;
	v1 =	vnsel vm1, $0x0, v3  }
0x30: {  	v1 =	vadd.f32 v1, v2;
	_ =	sdelay $0x1  }
0x31: {  	v0 =	vadd.f32 v1, v0;
	_ =	sdelay $0x1  }
0x32: {  	v0 =	vmul.f32 $1.562500000e-02, v0  }
.LBB2_5:
0x33: {  	s16 =	sadd.s32 $0x1, s16  }
0x34: {  	p1 =	seq.s32 s16, s10  }
.Ltmp1:
0x35: {  	[tilespmem:$0x7800] =	vst v0;
	(pc) =	sbr.rel @p1 .LBB2_6-.Ltmp1, $4  }
0x36: {  	[hbm4b:s9+s3] =	stream.linear.scatter [tilespmem:s14], [sflag:$0x3], $0x80, $0x38;
	[tilespmem:$0x7880] =	vst v63  }
0x37: {  	_ =	swait.ge [sflag:s15], $0x80  }
0x38: {  	[sflag:s15] =	ssyncset.done $0x0  }
0x39: {  	[sflag:s15] =	ssyncadd.s32 $0xFFFFFF80  }
.LBB2_1:
0x3a: {  	[tilespmem:s3], [sflag:$0x1] =	stream.linear.gather [hbm4b:s6+s3], $0x3C00, $0x38;
	[tilespmem:$0x7880] =	vst v63  }
0x3b: {  	_ = 	snop  }
0x3c: {  	[tilespmem:s12], [sflag:$0x2] =	stream.linear.gather [hbm4b:s7+s3], $0x3C00, $0x38;
	[tilespmem:$0x7880] =	vst v63  }
0x3d: {  	_ =	swait.ge [sflag:s4], $0x3C00  }
.Ltmp2:
0x3e: {  	[sflag:s4] =	ssyncset.done $0x0;
	(pc) =	sbr.rel @p0 .LBB2_5-.Ltmp2, $4  }
0x3f: {  	[sflag:s4] =	ssyncadd.s32 $0xFFFFC400  }
0x40: {  	_ =	swait.ge [sflag:s13], $0x3C00  }
0x41: {  	[sflag:s13] =	ssyncset.done $0x0  }
0x42: {  	v0 =	vimm.f32 $0.0e+00;
	[sflag:s13] =	ssyncadd.s32 $0xFFFFC400  }
0x43: {  	s17 =	sadd.s32 $0x0, s8  }
0x44: {  	s17 =	sshrl.u32 s17, $0x2  }
0x45: {  	s17 =	ssub.s32 s17, s2  }
0x46: {  	s17 =	smul.u32 $0x780, s17  }
0x47: {  	s18 =	sand.u32 $0x30, s11  }
0x48: {  	s17 =	sor.u32 s18, s17  }
0x49: {  	v3 =	vld [tilespmem:s17+$0x180]  }
0x4a: {  	v9 =	vld [tilespmem:s17+$0x3C80]  }
0x4b: {  	v5 =	vld [tilespmem:s17+$0x3CC0]  }
0x4c: {  	v2 =	vld [tilespmem:s17+$0x3C00]  }
0x4d: {  	v7 =	vld [tilespmem:s17+$0x140]  }
0x4e: {  	v4 =	vld [tilespmem:s17+$0x3C40]  }
0x4f: {  	v8 =	vld [tilespmem:s17+$0x0]  }
0x50: {  	v11 =	vld [tilespmem:s17+$0x80]  }
0x51: {  	v13 =	vld [tilespmem:s17+$0x280]  }
0x52: {  	v17 =	vld [tilespmem:s17+$0x3E80]  }
0x53: {  	v20 =	vld [tilespmem:s17+$0x2C0]  }
0x54: {  	v24 =	vld [tilespmem:s17+$0x3EC0]  }
0x55: {  	v26 =	vld [tilespmem:s17+$0x300]  }
0x56: {  	v28 =	vld [tilespmem:s17+$0x3F00]  }
0x57: {  	v12 =	vld [tilespmem:s17+$0x200];
	v10 =	vmul.f32 $5.000000000e-01, v5  }
0x58: {  	v14 =	vld [tilespmem:s17+$0x1C0];
	v15 =	vmul.f32 $7.142857460e-02, v7;
	v16 =	vmul.f32 $7.142857460e-02, v4  }
0x59: {  	v6 =	vld [tilespmem:s17+$0x40];
	v18 =	vmul.f32 $7.142857460e-02, v3;
	v19 =	vmul.f32 $5.000000000e-01, v9  }
0x5a: {  	v1 =	vld [tilespmem:s17+$0xC0];
	v21 =	vmul.f32 $7.142857460e-02, v2;
	v22 =	vmul.f32 $7.142857460e-02, v8;
	v20 =	vsub.f32 v20, v24  }
0x5b: {  	v25 =	vmul.f32 $5.000000000e-01, v11;
	v13 =	vsub.f32 v13, v17;
	v26 =	vsub.f32 v26, v28  }
0x5c: {  	v29 =	vmul.f32 $5.000000000e-01, v12;
	v23 =	vsub.f32 v16, v10;
	v10 =	vadd.f32 v10, v16  }
0x5d: {  	v31 =	vmul.f32 $5.000000000e-01, v14;
	v27 =	vadd.f32 v19, v21;
	v19 =	vsub.f32 v21, v19  }
0x5e: {  	v34 =	vld [tilespmem:s17+$0x3F40];
	v16 =	vmul.f32 $7.142857460e-02, v6;
	v30 =	vsub.f32 v22, v25;
	v22 =	vadd.f32 v25, v22  }
0x5f: {  	v38 =	vld [tilespmem:s17+$0x3F80];
	v21 =	vmul.f32 $5.000000000e-01, v1;
	v35 =	vsub.f32 v18, v29;
	v37 =	vsub.f32 v15, v31  }
0x60: {  	v57 =	vld [tilespmem:s17+$0x3FC0];
	v18 =	vadd.f32 v29, v18;
	v15 =	vadd.f32 v31, v15;
	v13 =	vmul.f32 v13, v13  }
0x61: {  	v58 =	vld [tilespmem:s17+$0x440];
	v32 =	vsub.f32 v27, v19;
	v33 =	vsub.f32 v16, v21;
	v36 =	vmin.f32 v22, v27  }
0x62: {  	v59 =	vld [tilespmem:s17+$0x4140];
	v16 =	vadd.f32 v21, v16;
	v56 =	vmax.f32 v30, v19;
	v40 =	vsub.f32 v10, v23  }
0x63: {  	v60 =	vld [tilespmem:s17+$0x3E00];
	v19 =	vmax.f32 v37, v19;
	v22 =	vsub.f32 v22, v30;
	v27 =	vmin.f32 v15, v27  }
0x64: {  	v62 =	vld [tilespmem:s17+$0x3D80];
	v20 =	vmul.f32 v20, v20;
	v15 =	vsub.f32 v15, v37;
	v19 =	vsub.f32 v27, v19  }
0x65: {  	v63 =	vld [tilespmem:s17+$0x3E40];
	v29 =	vmax.f32 v33, v23;
	v39 =	vmin.f32 v16, v10;
	v16 =	vsub.f32 v16, v33  }
0x66: {  	v24 =	vld [tilespmem:s17+$0x3C0];
	v10 =	vmin.f32 v18, v10;
	v18 =	vsub.f32 v18, v35;
	v23 =	vmax.f32 v35, v23  }
0x67: {  	v17 =	vld [tilespmem:s17+$0x480];
	v33 =	vsub.f32 v36, v56;
	v32 =	vmul.f32 v40, v32;
	v10 =	vsub.f32 v10, v23  }
0x68: {  	v28 =	vld [tilespmem:s17+$0x500];
	v29 =	vsub.f32 v39, v29;
	v15 =	vmul.f32 v18, v15;
	v16 =	vmul.f32 v16, v22  }
0x69: {  	v25 =	vld [tilespmem:s17+$0x340];
	v18 =	vmax.f32 v19, $0.0e+00;
	v22 =	vmax.f32 v33, $0.0e+00;
	v10 =	vmax.f32 v10, $0.0e+00  }
0x6a: {  	v31 =	vld [tilespmem:s17+$0x400];
	v27 =	vmax.f32 v29, $0.0e+00;
	v18 =	vmul.f32 v10, v18;
	v10 =	vadd.f32 v32, v15  }
0x6b: {  	v21 =	vld [tilespmem:s17+$0x380];
	v27 =	vmul.f32 v27, v22;
	v16 =	vadd.f32 v32, v16  }
0x6c: {  	v30 =	vld [tilespmem:s17+$0x4000];
	v13 =	vadd.f32 v20, v13;
	v20 =	vmul.f32 v26, v26;
	v10 =	vsub.f32 v10, v18  }
0x6d: {  	v26 =	vld [tilespmem:s17+$0x540];
	v16 =	vsub.f32 v16, v27  }
0x6e: {  	v13 =	vadd.f32 v20, v13;
	v20 =	vld [tilespmem:s17+$0x5C0];
	v25 =	vsub.f32 v25, v34;
	(erf) = vrcp.f32 v10  }
0x6f: {  	v23 =	vld [tilespmem:s17+$0x4040];
	(erf) = vrcp.f32 v16  }
0x70: {  	v19 =	vld [tilespmem:s17+$0x4080];
	v10 =	vsub.f32 v21, v38;
	v16 =	vmul.f32 v25, v25  }
0x71: {  	v15 =	vld [tilespmem:s17+$0x4C0]  }
0x72: {  	v24 =	vsub.f32 v24, v57;
	v22 =	vld [tilespmem:s17+$0x40C0];
	v13 =	vadd.f32 v16, v13;
	v16 =	vmul.f32 v10, v10  }
0x73: {  	v29 =	vld [tilespmem:s17+$0x4100];
	v30 =	vsub.f32 v31, v30  }
0x74: {  	v24 =	vmul.f32 v24, v24;
	v31 =	vld [tilespmem:s17+$0x4180];
	v23 =	vsub.f32 v58, v23;
	v16 =	vadd.f32 v16, v13  }
0x75: {  	v25 =	vld [tilespmem:s17+$0x41C0]  }
0x76: {  	v17 =	vsub.f32 v17, v19;
	v21 =	vld [tilespmem:s17+$0x580];
	v16 =	vadd.f32 v24, v16  }
0x77: {  	v19 =	vmul.f32 v30, v30;
	v30 =	vld [tilespmem:s17+$0x3DC0];
	v24 =	vsub.f32 v26, v59;
	v26 =	vsub.f32 v15, v22;
	v15 =	vpop (erf)  }
0x78: {  	v34 =	vld [tilespmem:s17+$0x4200];
	v61 =	vmul.f32 v23, v23;
	v28 =	vsub.f32 v28, v29;
	v17 =	vmul.f32 v17, v17;
	v23 =	vpop (erf)  }
0x79: {  	v10 =	vld [tilespmem:s17+$0x600];
	v16 =	vadd.f32 v19, v16;
	v22 =	vmul.f32 v15, v18;
	v23 =	vmul.f32 v23, v27  }
0x7a: {  	v13 =	vld [tilespmem:s17+$0x640];
	v19 =	vsub.f32 v20, v25;
	v24 =	vmul.f32 v24, v24;
	v26 =	vmul.f32 v26, v26  }
0x7b: {  	v20 =	vld [tilespmem:s17+$0x4240];
	v18 =	vsub.f32 v21, v31;
	v16 =	vadd.f32 v61, v16;
	vm0 =	vgt.f32 v22, v23  }
0x7c: {  	v31 =	vld [tilespmem:s17+$0x3D40];
	v27 =	vmul.f32 v28, v28;
	v14 =	vsel vm0, v14, v11;
	v9 =	vsel vm0, v30, v9  }
0x7d: {  	v15 =	vld [tilespmem:s17+$0x240];
	v25 =	vmul.f32 v18, v18;
	v30 =	vadd.f32 v17, v16;
	v17 =	vmul.f32 v9, v14  }
0x7e: {  	v21 =	vld [tilespmem:s17+$0x100];
	v28 =	vsel vm0, v12, v1;
	v3 =	vsel vm0, v3, v6;
	v16 =	vadd.f32 v9, v14  }
0x7f: {  	v1 =	vld [tilespmem:s17+$0x3D00];
	v14 =	vsel vm0, v60, v5;
	v5 =	vshra.s32 v17, $0x1;
	v29 =	vmul.f32 $5.000000000e-01, v17  }
0x80: {  	p1 =	sgt.s32 s5, $0x1;
	v11 =	vld [tilespmem:s17+$0x680];
	v4 =	vsel vm0, v62, v4;
	v18 =	vmul.f32 v14, v28;
	v32 =	vsub.s32 $0x5F3759DF, v5  }
.Ltmp3:
0x81: {  	v6 =	vld [tilespmem:s17+$0x6C0];
	v9 =	vsel vm0, v7, v8;
	v2 =	vsel vm0, v31, v2;
	v5 =	vmul.f32 v32, v29;
	(pc) =	sbr.rel @!p1 .LBB2_4-.Ltmp3, $4  }
0x82: {  	v7 =	vld [tilespmem:s17+$0x4280];
	v33 =	vadd.f32 v26, v30;
	v12 =	vshra.s32 v18, $0x1;
	v30 =	vmul.f32 $5.000000000e-01, v18  }
0x83: {  	v8 =	vld [tilespmem:s17+$0x42C0];
	v26 =	vsub.f32 v3, v4;
	v31 =	vsub.s32 $0x5F3759DF, v12;
	v5 =	vmul.f32 v32, v5  }
0x84: {  	v3 =	vld [tilespmem:s17+$0x700];
	v4 =	vsub.f32 v21, v1;
	v12 =	vsub.f32 v9, v2;
	v36 =	vmul.f32 v31, v30  }
0x85: {  	s19 =	smov.u32 s11;
	s18 =	simm.s32 $0x1;
	v26 =	vmul.f32 v26, v26;
	v9 =	vld [tilespmem:s17+$0x4300];
	v2 =	vsub.f32 v15, v63;
	v35 =	vsub.f32 $1.500000000e+00, v5  }
.LBB2_3:
0x86: {  	s20 =	sadd.s32 s18, s8;
	s18 =	sadd.s32 $0x1, s18;
	v5 =	vmul.f32 v4, v4;
	v4 =	vsel vm0, v15, v21;
	v27 =	vadd.f32 v27, v33;
	v33 =	vld [tilespmem:s17+$0x740]  }
0x87: {  	v22 =	vmax.f32 v23, v22;
	v23 =	vmul.f32 v32, v35;
	v32 =	vmul.f32 v31, v36;
	s20 =	sshrl.u32 s20, $0x2;
	p1 =	slt.s32 s18, s5;
	v35 =	vld [tilespmem:s17+$0x4340]  }
0x88: {  	v15 =	vsel vm0, v21, v15;
	v21 =	vadd.f32 v14, v28;
	s17 =	ssub.s32 s20, s2;
	v14 =	vadd.f32 v24, v27  }
0x89: {  	s19 =	sadd.s32 $0x10, s19;
	v22 =	vsub.f32 v4, v22;
	v24 =	vmul.f32 v23, v29;
	v27 =	vsub.f32 $1.500000000e+00, v32;
	s17 =	smul.u32 $0x780, s17  }
0x8a: {  	v19 =	vmul.f32 v19, v19;
	v10 =	vsub.f32 v10, v34;
	s20 =	sand.u32 $0x30, s19;
	v14 =	vadd.f32 v25, v14  }
0x8b: {  	v13 =	vsub.f32 v13, v20;
	v24 =	vmul.f32 v24, v23;
	v25 =	vmul.f32 v31, v27;
	s17 =	sor.u32 s20, s17  }
0x8c: {  	v11 =	vsub.f32 v11, v7;
	v10 =	vmul.f32 v10, v10;
	v4 =	vld [tilespmem:s17+$0x180];
	v14 =	vadd.f32 v19, v14  }
0x8d: {  	v19 =	vsub.f32 $1.500000000e+00, v24;
	v20 =	vmul.f32 v25, v30;
	v24 =	vsub.f32 v6, v8;
	v7 =	vld [tilespmem:s17+$0x3C80]  }
0x8e: {  	v13 =	vmul.f32 v13, v13;
	v6 =	vld [tilespmem:s17+$0x3CC0];
	v8 =	vadd.f32 v10, v14;
	v14 =	vsub.f32 v3, v9  }
0x8f: {  	v19 =	vmul.f32 v19, v23;
	v20 =	vmul.f32 v20, v25;
	v10 =	vsub.f32 v33, v35;
	v3 =	vld [tilespmem:s17+$0x3C00]  }
0x90: {  	v23 =	vmul.f32 v11, v11;
	v9 =	vld [tilespmem:s17+$0x140];
	v13 =	vadd.f32 v13, v8  }
0x91: {  	v17 =	vmul.f32 v19, v17;
	v19 =	vsub.f32 $1.500000000e+00, v20;
	v20 =	vmul.f32 v14, v14;
	v11 =	vld [tilespmem:s17+$0xC0]  }
0x92: {  	v27 =	vmul.f32 v12, v12;
	v8 =	vld [tilespmem:s17+$0x3C40];
	v13 =	vadd.f32 v23, v13;
	v23 =	vmul.f32 v24, v24  }
0x93: {  	v28 =	vadd.f32 v17, v17;
	v19 =	vmul.f32 v19, v25;
	v12 =	vld [tilespmem:s17+$0x0];
	v24 =	vmul.f32 $5.000000000e-01, v6  }
0x94: {  	v22 =	vmul.f32 v22, v22;
	v25 =	vadd.f32 v26, v27;
	v14 =	vld [tilespmem:s17+$0x40];
	v13 =	vadd.f32 v23, v13  }
0x95: {  	v26 =	vsub.f32 v16, v28;
	v27 =	vmul.f32 v19, v18;
	v17 =	vld [tilespmem:s17+$0x80];
	v23 =	vmul.f32 $7.142857460e-02, v9  }
0x96: {  	v28 =	vmul.f32 $7.142857460e-02, v4;
	v19 =	vadd.f32 v22, v22;
	v16 =	vld [tilespmem:s17+$0x200];
	v13 =	vadd.f32 v20, v13  }
0x97: {  	v20 =	vmul.f32 $5.000000000e-01, v7;
	v25 =	vadd.f32 v26, v25;
	v18 =	vld [tilespmem:s17+$0x1C0];
	v22 =	vmul.f32 $7.142857460e-02, v8  }
0x98: {  	v26 =	vmul.f32 $7.142857460e-02, v3;
	v27 =	vadd.f32 v27, v27;
	v29 =	vmul.f32 $7.142857460e-02, v12;
	v30 =	vld [tilespmem:s17+$0x280]  }
0x99: {  	v31 =	vsub.f32 v22, v24;
	v22 =	vadd.f32 v24, v22;
	v24 =	vmul.f32 $7.142857460e-02, v14;
	v32 =	vld [tilespmem:s17+$0x3E80]  }
0x9a: {  	v33 =	vadd.f32 v20, v26;
	v21 =	vsub.f32 v21, v27;
	v34 =	vmul.f32 $5.000000000e-01, v17;
	v35 =	vld [tilespmem:s17+$0x2C0]  }
0x9b: {  	v20 =	vsub.f32 v26, v20;
	v26 =	vmul.f32 $5.000000000e-01, v11;
	v27 =	vmul.f32 $5.000000000e-01, v16;
	v36 =	vld [tilespmem:s17+$0x3EC0]  }
0x9c: {  	v37 =	vsub.f32 v29, v34;
	v29 =	vadd.f32 v34, v29;
	v34 =	vmul.f32 $5.000000000e-01, v18;
	v38 =	vld [tilespmem:s17+$0x300]  }
0x9d: {  	v39 =	vsub.f32 v33, v20;
	v40 =	vsub.f32 v28, v27;
	v41 =	vld [tilespmem:s17+$0x3F00]  }
0x9e: {  	v42 =	vsub.f32 v24, v26;
	v43 =	vmin.f32 v29, v33;
	v44 =	vsub.f32 v23, v34;
	v45 =	vld [tilespmem:s17+$0x340]  }
0x9f: {  	v24 =	vadd.f32 v26, v24;
	v27 =	vadd.f32 v27, v28;
	v26 =	vmax.f32 v37, v20;
	v28 =	vld [tilespmem:s17+$0x3F40]  }
0xa0: {  	v46 =	vsub.f32 v22, v31;
	v47 =	vmax.f32 v42, v31;
	v20 =	vmax.f32 v44, v20;
	v48 =	vld [tilespmem:s17+$0x380]  }
0xa1: {  	v49 =	vmin.f32 v24, v22;
	v24 =	vsub.f32 v24, v42;
	v35 =	vsub.f32 v35, v36;
	v36 =	vld [tilespmem:s17+$0x3F80]  }
0xa2: {  	v39 =	vmul.f32 v46, v39;
	v42 =	vsub.f32 v49, v47;
	v22 =	vmin.f32 v27, v22;
	v46 =	vld [tilespmem:s17+$0x3C0]  }
0xa3: {  	v26 =	vsub.f32 v43, v26;
	v27 =	vsub.f32 v27, v40;
	v43 =	vld [tilespmem:s17+$0x3FC0]  }
0xa4: {  	v29 =	vsub.f32 v29, v37;
	v23 =	vadd.f32 v34, v23;
	v42 =	vmax.f32 v42, $0.0e+00;
	v34 =	vld [tilespmem:s17+$0x400]  }
0xa5: {  	v30 =	vsub.f32 v30, v32;
	v31 =	vmax.f32 v40, v31;
	v32 =	vsub.f32 v38, v41;
	v37 =	vld [tilespmem:s17+$0x4000]  }
0xa6: {  	v33 =	vmin.f32 v23, v33;
	v22 =	vsub.f32 v22, v31;
	v23 =	vsub.f32 v23, v44;
	v31 =	vld [tilespmem:s17+$0x440]  }
0xa7: {  	v24 =	vmul.f32 v24, v29;
	v26 =	vmax.f32 v26, $0.0e+00;
	v20 =	vsub.f32 v33, v20;
	v29 =	vld [tilespmem:s17+$0x4040]  }
0xa8: {  	v26 =	vmul.f32 v42, v26;
	v22 =	vmax.f32 v22, $0.0e+00;
	v23 =	vmul.f32 v27, v23;
	v27 =	vld [tilespmem:s17+$0x480]  }
0xa9: {  	v30 =	vmul.f32 v30, v30;
	v33 =	vmul.f32 v35, v35;
	v20 =	vmax.f32 v20, $0.0e+00;
	v35 =	vld [tilespmem:s17+$0x4080]  }
0xaa: {  	v24 =	vadd.f32 v39, v24;
	v20 =	vmul.f32 v22, v20;
	v22 =	vadd.f32 v39, v23;
	v23 =	vld [tilespmem:s17+$0x4C0]  }
0xab: {  	v28 =	vsub.f32 v45, v28;
	v39 =	vmul.f32 v10, v10;
	v36 =	vsub.f32 v48, v36;
	v38 =	vld [tilespmem:s17+$0x40C0]  }
0xac: {  	v10 =	vsub.f32 v22, v20;
	v22 =	vadd.f32 v33, v30;
	v30 =	vmul.f32 v32, v32;
	v32 =	vld [tilespmem:s17+$0x500]  }
0xad: {  	vm1 =	veq.f32 v1, $0.0e+00;
	v21 =	vadd.f32 v25, v21;
	v24 =	vsub.f32 v24, v26;
	v33 =	vld [tilespmem:s17+$0x4100]  }
0xae: {  	v25 =	vmul.f32 v28, v28;
	v22 =	vadd.f32 v30, v22;
	v28 =	vld [tilespmem:s17+$0x540];
	(erf) = vrcp.f32 v10  }
0xaf: {  	v21 =	vmul.f32 $5.000000000e+00, v21;
	v10 =	vsub.f32 v46, v43;
	v30 =	vld [tilespmem:s17+$0x4140];
	(erf) = vrcp.f32 v24  }
0xb0: {  	v22 =	vadd.f32 v25, v22;
	v25 =	vsub.f32 v34, v37;
	v24 =	vmul.f32 v36, v36;
	v34 =	vld [tilespmem:s17+$0x580]  }
0xb1: {  	v15 =	vmul.f32 v15, v15;
	v19 =	vadd.f32 v21, v19;
	v29 =	vsub.f32 v31, v29;
	v31 =	vld [tilespmem:s17+$0x5C0]  }
0xb2: {  	v21 =	vadd.f32 v24, v22;
	v22 =	vmul.f32 v10, v10;
	v24 =	vsub.f32 v27, v35;
	v27 =	vld [tilespmem:s17+$0x41C0]  }
0xb3: {  	v2 =	vmul.f32 v2, v2;
	v15 =	vadd.f32 v19, v15;
	v35 =	vadd.f32 v39, v13;
	v10 =	vld [tilespmem:s17+$0x600]  }
0xb4: {  	v19 =	vadd.f32 v22, v21;
	v21 =	vmul.f32 v25, v25;
	v25 =	vsub.f32 v28, v30;
	v28 =	vld [tilespmem:s17+$0x4180]  }
0xb5: {  	vm0 =	vgt.f32 v1, $0.0e+00;
	v1 =	vadd.f32 v35, v15;
	v30 =	vsub.f32 v23, v38;
	v13 =	vld [tilespmem:s17+$0x640]  }
0xb6: {  	v2 =	vadd.f32 v2, v5;
	v23 =	vadd.f32 v21, v19;
	v21 =	vmul.f32 v29, v29;
	v35 =	vld [tilespmem:s17+$0x3DC0]  }
0xb7: {  	v29 =	vsub.f32 v32, v33;
	v5 =	vld [tilespmem:s17+$0x3E00];
	v19 =	vsub.f32 v31, v27;
	v22 =	vpop (erf);
	v31 =	vnsel vm0, $0x0, v1  }
0xb8: {  	v1 =	vadd.f32 v21, v23;
	v21 =	vmul.f32 v24, v24;
	v32 =	vld [tilespmem:s17+$0x3D80];
	v22 =	vmul.f32 v22, v20;
	v15 =	vpop (erf)  }
0xb9: {  	v2 =	vmul.f32 $5.000000000e-01, v2;
	v23 =	vmul.f32 v15, v26;
	v26 =	vsub.f32 v34, v28;
	v20 =	vld [tilespmem:s17+$0x4240]  }
0xba: {  	v27 =	vmul.f32 v29, v29;
	v24 =	vmul.f32 v25, v25;
	v33 =	vadd.f32 v21, v1;
	v15 =	vld [tilespmem:s17+$0x240]  }
0xbb: {  	v30 =	vmul.f32 v30, v30;
	v21 =	vld [tilespmem:s17+$0x100];
	vm0 =	vgt.f32 v22, v23;
	v25 =	vmul.f32 v26, v26  }
0xbc: {  	v26 =	vld [tilespmem:s17+$0x3D40];
	v1 =	vsel vm0, v18, v17;
	v28 =	vsel vm0, v16, v11;
	v7 =	vsel vm0, v35, v7  }
0xbd: {  	v2 =	vnsel vm1, $0x0, v2;
	v16 =	vadd.f32 v7, v1;
	v17 =	vmul.f32 v7, v1;
	v11 =	vld [tilespmem:s17+$0x680]  }
0xbe: {  	v9 =	vsel vm0, v9, v12;
	v4 =	vsel vm0, v4, v14;
	v14 =	vsel vm0, v5, v6;
	v1 =	vld [tilespmem:s17+$0x3D00]  }
0xbf: {  	v18 =	vmul.f32 v14, v28;
	v5 =	vshra.s32 v17, $0x1;
	v29 =	vmul.f32 $5.000000000e-01, v17;
	v7 =	vld [tilespmem:s17+$0x4280]  }
0xc0: {  	v33 =	vadd.f32 v30, v33;
	v8 =	vsel vm0, v32, v8;
	v34 =	vld [tilespmem:s17+$0x3E40];
	v32 =	vsub.s32 $0x5F3759DF, v5  }
.Ltmp4:
0xc1: {  	v2 =	vadd.f32 v31, v2;
	v12 =	vshra.s32 v18, $0x1;
	v5 =	vmul.f32 v32, v29;
	v6 =	vld [tilespmem:s17+$0x6C0];
	(pc) =	sbr.rel @p1 .LBB2_3-.Ltmp4, $4  }
0xc2: {  	v35 =	vsub.f32 v4, v8;
	v31 =	vsub.s32 $0x5F3759DF, v12;
	v26 =	vsel vm0, v26, v3;
	v8 =	vld [tilespmem:s17+$0x42C0]  }
0xc3: {  	v30 =	vmul.f32 $5.000000000e-01, v18;
	v4 =	vsub.f32 v21, v1;
	v5 =	vmul.f32 v32, v5;
	v3 =	vld [tilespmem:s17+$0x700]  }
0xc4: {  	v0 =	vadd.f32 v2, v0;
	v12 =	vsub.f32 v9, v26;
	v26 =	vmul.f32 v35, v35;
	v9 =	vld [tilespmem:s17+$0x4300]  }
0xc5: {  	v36 =	vmul.f32 v31, v30;
	v2 =	vsub.f32 v15, v34;
	v35 =	vsub.f32 $1.500000000e+00, v5;
	v34 =	vld [tilespmem:s17+$0x4200]  }
.Ltmp5:
0xc6: {  	_ = 	snop;
	(pc) =	sbr.rel .LBB2_4-.Ltmp5, $1  }
0xc7: {  	_ =	sdelay $0x3  }
.LBB2_6:
0xc8: {  	_ =	sfence.sel $0x180000  }
0xc9: {  	[bflag:$0x0] =	sbarrier.arrive $0xFFFF  }
0xca: {  	p0 =	sne.s32 s0, $0x0;
	_ =	strace $0x90000047  }
0xcb: {  	s0 =	sadd.s32 @!p0 $0x100000, s1;
	[bflag:$0x2] =	sbarrier.arrive $0xFFFF  }
0xcc: {  	[sflag:s0] =	ssyncadd.tile.s32 @!p0 $0x1;
	_ =	shalt  }
.Lfunc_end2:
_tile_overlayer_lowered:
.L_overlay_start_2:
0xcd: {  	(tag) =	ssettag $0x2  }
0xce: {  	s0 =	rddreg [dreg:$0x0];
	s2 =	stileid.u32  }
0xcf: {  	s1 =	rddreg [dreg:$0x1];
	p0 =	sne.s32 s2, $0x0  }
0xd0: {  	s3 =	rddreg [dreg:$0x2];
	[bflag:$0x3] =	sbarrier.arrive $0xFFFF;
	s2 =	simm.s32 @!p0 $0x1C03  }
0xd1: {  	[timem:s3], [sflag:s2] =	dma.local @!p0 [hbm:s0], s1  }
0xd2: {  	s0 =	simm.s32 @!p0 $0x3  }
0xd3: {  	_ =	swait.ge @!p0 [sflag:s0], s1  }
0xd4: {  	s1 =	ssub.s32 @!p0 $0x0, s1;
	[sflag:s0] =	ssyncset.done @!p0 $0x0  }
0xd5: {  	[sflag:s0] =	ssyncadd.s32 @!p0 s1  }
0xd6: {  	[bflag:$0x3] =	sbarrier.arrive $0xFFFF  }
0xd7: {  	_ =	shalt  }

</sc_bundles>
